<compile_context>
chip_gen: v7x
topology: tpu7x:2x2x1
jax: 0.10.2.dev20260603
libtpu: 0.0.44.dev20260713+nightly
codegen_flags: <defaults>
</compile_context>

<pallas_src>
import jax
import jax.numpy as jnp
from jax import lax
from jax.experimental import pallas as pl
from jax.experimental.pallas import tpu as pltpu
from jax.experimental.pallas import tpu_sc as plsc

B = 8
G = 19264
D = 256
K = 2048
STATS_W = 384
CH = 128
_I32_MAX = 2147483647


def _select_body(expr_ref, stats_ref):
    e = expr_ref[...]
    kv = lax.bitcast_convert_type(e, jnp.int32)
    kv = jnp.where(e > 0.0, kv, 0)
    npos = jnp.sum((kv > 0).astype(jnp.int32), axis=1, keepdims=True)
    keff = jnp.minimum(npos, K)

    def step(_, carry):
        lo, hi = carry
        mid = lo + (hi - lo) // 2
        cnt = jnp.sum((kv >= mid).astype(jnp.int32), axis=1, keepdims=True)
        p = cnt >= keff
        return jnp.where(p, mid, lo), jnp.where(p, hi, mid)

    lo0 = jnp.ones((B, 1), jnp.int32)
    hi0 = jnp.full((B, 1), _I32_MAX, jnp.int32)
    vstar, _ = lax.fori_loop(0, 31, step, (lo0, hi0))
    n_gt = jnp.sum((kv > vstar).astype(jnp.int32), axis=1, keepdims=True)
    need = keff - n_gt
    eqm = kv == vstar
    gidx = lax.broadcasted_iota(jnp.int32, (B, G), 1)

    def istep(_, carry):
        lo, hi = carry
        mid = lo + (hi - lo) // 2
        cnt = jnp.sum((eqm & (gidx <= mid)).astype(jnp.int32), axis=1,
                      keepdims=True)
        p = cnt >= need
        return jnp.where(p, lo, mid), jnp.where(p, mid, hi)

    ilo0 = jnp.full((B, 1), -1, jnp.int32)
    ihi0 = jnp.full((B, 1), G - 1, jnp.int32)
    _, ghi = lax.fori_loop(0, 15, istep, (ilo0, ihi0))
    gstar = jnp.where(need > 0, ghi, -1)
    stats_ref[:, 0:128] = jnp.broadcast_to(vstar, (B, 128))
    stats_ref[:, 128:256] = jnp.broadcast_to(gstar, (B, 128))
    stats_ref[:, 256:384] = jnp.broadcast_to(keff, (B, 128))


def _select_tc(expr_pad):
    return pl.pallas_call(
        _select_body,
        out_shape=jax.ShapeDtypeStruct((B, STATS_W), jnp.int32),
    )(expr_pad)


def _sc_body(expr_hbm, stats_hbm, table_hbm, gath_hbm, selval_hbm, ids_hbm,
             expr_v, stats_v, ids_v, vals_v, idsq_v, rows_v, rows2_v, sem,
             sem2):
    cid = lax.axis_index("c")
    sid = lax.axis_index("s")
    row = sid * 2 + cid

    @pl.when(row < B)
    def _():
        pltpu.sync_copy(expr_hbm.at[row], expr_v)
        pltpu.sync_copy(stats_hbm.at[row], stats_v)
        lane0 = lax.iota(jnp.int32, 16) == 0
        vstar = jnp.sum(jnp.where(lane0, stats_v[pl.ds(0, 16)], 0))
        gstar = jnp.sum(jnp.where(lane0, stats_v[pl.ds(128, 16)], 0))
        keff = jnp.sum(jnp.where(lane0, stats_v[pl.ds(256, 16)], 0))

        zero_i = jnp.zeros((16,), jnp.int32)
        zero_f = jnp.zeros((16,), jnp.float32)

        def zstep(j, _):
            ids_v[pl.ds(j * 16, 16)] = zero_i
            vals_v[pl.ds(j * 16, 16)] = zero_f
            return 0

        lax.fori_loop(keff // 16, (K + 16) // 16, zstep, 0)

        def cstep(i, off):
            ev = expr_v[pl.ds(i * 16, 16)]
            kv = plsc.bitcast(ev, jnp.int32)
            ids = lax.iota(jnp.int32, 16) + i * 16
            sel = (kv > vstar) | ((kv == vstar) & (ids <= gstar))
            plsc.store_compressed(ids_v.at[pl.ds(off, 16)], ids, mask=sel)
            plsc.store_compressed(vals_v.at[pl.ds(off, 16)], ev, mask=sel)
            return off + jnp.sum(sel.astype(jnp.int32))

        lax.fori_loop(0, G // 16, cstep, jnp.int32(0))

        pltpu.sync_copy(vals_v.at[pl.ds(0, K)], selval_hbm.at[row])
        pltpu.sync_copy(ids_v.at[pl.ds(0, K)], ids_hbm.at[row])

    plsc.subcore_barrier()
    rr = (sid // 4) * 2 + cid
    qq = sid % 4
    pltpu.sync_copy(ids_hbm.at[rr, pl.ds(qq * 512, 512)], idsq_v)
    NCH = 512 // CH
    d = pltpu.async_copy(table_hbm.at[idsq_v.at[pl.ds(0, CH)]], rows_v, sem)
    d.wait()
    for c in range(NCH):
        rbuf = rows_v if c % 2 == 0 else rows2_v
        w = pltpu.async_copy(
            rbuf, gath_hbm.at[rr, pl.ds(qq * 512 + c * CH, CH)], sem2)
        if c + 1 < NCH:
            nbuf = rows2_v if c % 2 == 0 else rows_v
            g = pltpu.async_copy(
                table_hbm.at[idsq_v.at[pl.ds((c + 1) * CH, CH)]], nbuf, sem)
            g.wait()
        w.wait()


def _compact_gather_sc(expr_pad, stats, table):
    mesh = plsc.VectorSubcoreMesh(core_axis_name="c", subcore_axis_name="s")
    f = pl.kernel(
        _sc_body,
        out_type=[
            jax.ShapeDtypeStruct((B, K, D), jnp.float32),
            jax.ShapeDtypeStruct((B, K), jnp.float32),
            jax.ShapeDtypeStruct((B, K), jnp.int32),
        ],
        mesh=mesh,
        scratch_types=[
            pltpu.VMEM((G,), jnp.float32),
            pltpu.VMEM((STATS_W,), jnp.int32),
            pltpu.VMEM((K + 16,), jnp.int32),
            pltpu.VMEM((K + 16,), jnp.float32),
            pltpu.VMEM((512,), jnp.int32),
            pltpu.VMEM((CH, D), jnp.float32),
            pltpu.VMEM((CH, D), jnp.float32),
            pltpu.SemaphoreType.DMA,
            pltpu.SemaphoreType.DMA,
        ],
        compiler_params=pltpu.CompilerParams(needs_layout_passes=False),
    )
    return f(expr_pad, stats, table)


def _mlp_body(counts_ref, gath_ref, selval_ref, w1_ref, b1_ref, w2t_ref,
              b2_ref, cls_ref, out_ref):
    v = selval_ref[0]
    pre_t = w1_ref[...] * v + b1_ref[...]
    h_t = 0.5 * pre_t * (1.0 + lax.erf(pre_t * 0.7071067811865476))
    ve = lax.dot_general(h_t, w2t_ref[...], (((0,), (0,)), ((), ())),
                         preferred_element_type=jnp.float32)
    tok = gath_ref[0] + ve + b2_ref[...]
    b = pl.program_id(0)
    cnt = counts_ref[b]
    r = lax.broadcasted_iota(jnp.int32, (K, 1), 0)
    tok = jnp.where(r < cnt, tok, 0.0)
    out_ref[0] = jnp.concatenate([cls_ref[...], tok], axis=0)


def _mlp_tc(counts, gath, selval3, w1r, b1r, w2t, b2r, clsr):
    return pl.pallas_call(
        _mlp_body,
        grid=(B,),
        in_specs=[
            pl.BlockSpec(memory_space=pltpu.SMEM),
            pl.BlockSpec((1, K, D), lambda b: (b, 0, 0)),
            pl.BlockSpec((1, 1, K), lambda b: (b, 0, 0)),
            pl.BlockSpec((D, 1), lambda b: (0, 0)),
            pl.BlockSpec((D, 1), lambda b: (0, 0)),
            pl.BlockSpec((D, D), lambda b: (0, 0)),
            pl.BlockSpec((1, D), lambda b: (0, 0)),
            pl.BlockSpec((1, D), lambda b: (0, 0)),
        ],
        out_specs=pl.BlockSpec((1, K + 1, D), lambda b: (b, 0, 0)),
        out_shape=jax.ShapeDtypeStruct((B, K + 1, D), jnp.float32),
    )(counts, gath, selval3, w1r, b1r, w2t, b2r, clsr)


def kernel(expr, table, W1, b1, W2, b2, cls_token):
    stats = _select_tc(expr)
    gath, selval, _sel_ids = _compact_gather_sc(expr, stats, table)
    counts = stats[:, 256]
    out_tokens = _mlp_tc(counts, gath, selval.reshape(B, 1, K),
                         W1, b1.reshape(D, 1), W2.T,
                         b2.reshape(1, D), cls_token.reshape(1, D))
    out_mask = jnp.arange(K + 1)[None, :] <= counts[:, None]
    return out_tokens, out_mask

# --- scband reference (transcript-rebuilt; emitter-appended) ---
"""Pipeline reference for scband-gene-expression-tokeniser-20693152432936 (READ-ONLY COPY).

The authoritative reference and input builder live on the scoring server;
editing this copy changes nothing except your own understanding.
"""

import jax, jax.numpy as jnp
import numpy as np

B, G, D = 8, 19264, 256
THRESHOLD = 0.0
MAX_GENES = 2048


def setup_inputs(seed: int = 0) -> dict:
    key = jax.random.key(seed)
    k1, k2, k3, k4, k5, k6, k7, k8 = jax.random.split(key, 8)
    expr = jax.random.uniform(k1, (B, G), dtype=jnp.float32)
    table = jax.random.normal(k2, (G, D), dtype=jnp.float32) * 0.02
    W1 = jax.random.normal(k3, (D, 1), dtype=jnp.float32) * 1.0
    b1 = jax.random.normal(k4, (D,), dtype=jnp.float32) * 0.02
    W2 = jax.random.normal(k5, (D, D), dtype=jnp.float32) * (1.0 / np.sqrt(D))
    b2 = jax.random.normal(k6, (D,), dtype=jnp.float32) * 0.02
    cls_token = jax.random.normal(k7, (1, 1, D), dtype=jnp.float32)
    return {"expr": expr, "table": table, "W1": W1, "b1": b1, "W2": W2, "b2": b2, "cls_token": cls_token}


def reference(expr, table, W1, b1, W2, b2, cls_token):
    # id_emb: gene embedding gathered for every gene id, broadcast over batch
    id_emb = jnp.broadcast_to(table[None, :, :], (B, G, D))
    # expr_proj: Linear(1,D) -> GELU(exact) -> Linear(D,D)
    h = expr[..., None] @ W1.T + b1            # [B, G, D]
    h = jax.nn.gelu(h, approximate=False)
    val_emb = h @ W2.T + b2                    # [B, G, D]
    tokens_all = id_emb + val_emb
    # active mask + top-k cap
    active_mask = expr > THRESHOLD
    if G > MAX_GENES:
        _, topk_idx = jax.lax.top_k(expr, MAX_GENES)
        sel_mask = jnp.zeros((B, G), dtype=bool)
        sel_mask = sel_mask.at[jnp.arange(B)[:, None], topk_idx].set(True)
        active_mask = active_mask & sel_mask
    counts = active_mask.sum(axis=1)
    max_active = min(G, MAX_GENES) + 1
    rank = jnp.cumsum(active_mask, axis=1)
    dest = jnp.where(active_mask, rank, max_active)
    out_tokens = jnp.zeros((B, max_active, D), dtype=jnp.float32)
    out_tokens = out_tokens.at[jnp.arange(B)[:, None], dest].set(tokens_all, mode="drop")
    out_mask = jnp.arange(max_active)[None, :] <= counts[:, None]
    out_tokens = out_tokens.at[:, :1].set(jnp.broadcast_to(cls_token, (B, 1, D)))
    out_mask = out_mask.at[:, 0].set(True)
    return out_tokens, out_mask

if __name__ == "__main__":
    import jax
    _d = setup_inputs()
    print(jax.jit(kernel)(*tuple(_d.values())))

</pallas_src>

<mosaic_0001>
#map = affine_map<(d0, d1) -> (0, 0)>
#map1 = affine_map<(d0, d1) -> (0, 0, 0)>
module attributes {stable_mosaic.version = 14 : i64} {
  func.func @_sc_body(%arg0: i32, %arg1: i32, %arg2: memref<8x19264xf32, #tpu.memory_space<hbm>>, %arg3: memref<8x384xi32, #tpu.memory_space<hbm>>, %arg4: memref<19264x256xf32, #tpu.memory_space<hbm>>, %arg5: memref<8x2048x256xf32, #tpu.memory_space<hbm>>, %arg6: memref<8x2048xf32, #tpu.memory_space<hbm>>, %arg7: memref<8x2048xi32, #tpu.memory_space<hbm>>, %arg8: memref<19264xf32, #tpu.memory_space<vmem>>, %arg9: memref<384xi32, #tpu.memory_space<vmem>>, %arg10: memref<2064xi32, #tpu.memory_space<vmem>>, %arg11: memref<2064xf32, #tpu.memory_space<vmem>>, %arg12: memref<512xi32, #tpu.memory_space<vmem>>, %arg13: memref<128x256xf32, #tpu.memory_space<vmem>>, %arg14: memref<128x256xf32, #tpu.memory_space<vmem>>, %arg15: memref<!tpu.dma_semaphore, #tpu.memory_space<semaphore_mem>>, %arg16: memref<!tpu.dma_semaphore, #tpu.memory_space<semaphore_mem>>) attributes {dimension_semantics = [#tpu.dimension_semantics<core_parallel>, #tpu.dimension_semantics<subcore_parallel>], iteration_bounds = array<i64: 2, 16>, scalar_prefetch = 0 : i64, scratch_operands = 9 : i64, tpu.core_type = #tpu.core_type<sc_vector_subcore>, window_params = [{transform_indices = #map}, {transform_indices = #map}, {transform_indices = #map}, {transform_indices = #map1}, {transform_indices = #map}, {transform_indices = #map}]} {
    %mul3A = arith.constant 2 : i32
    %mul3A_0 = arith.muli %arg1, %mul3A : i32
    %add3A = arith.addi %mul3A_0, %arg0 : i32
    %lt3A = arith.constant 8 : i32
    %lt3A_1 = arith.cmpi slt, %add3A, %lt3A : i32
    %convert_element_type3A = arith.extui %lt3A_1 : i1 to i32
    %cond3A = arith.constant 0 : i32
    %cond3A_2 = arith.cmpi ne, %convert_element_type3A, %cond3A : i32
    scf.if %cond3A_2 {
      "tpu.region"() ({
        %run_scoped3A = tpu.sem_alloc : memref<!tpu.dma_semaphore, #tpu.memory_space<semaphore_mem>>
        %dma_start3A_213 = arith.constant 0 : i32
        %dma_start3A_214 = tpu.memref_slice %arg2[%add3A, %dma_start3A_213] : memref<8x19264xf32, #tpu.memory_space<hbm>> -> memref<1x19264xf32, #tpu.memory_space<hbm>>
        %dma_start3A_215 = tpu.memref_squeeze %dma_start3A_214 : memref<1x19264xf32, #tpu.memory_space<hbm>> -> memref<19264xf32, #tpu.memory_space<hbm>>
        %dma_start3A_216 = arith.constant 0 : i32
        %dma_start3A_217 = tpu.memref_slice %arg2[%add3A, %dma_start3A_216] : memref<8x19264xf32, #tpu.memory_space<hbm>> -> memref<1x19264xf32, #tpu.memory_space<hbm>>
        %dma_start3A_218 = tpu.memref_squeeze %dma_start3A_217 : memref<1x19264xf32, #tpu.memory_space<hbm>> -> memref<19264xf32, #tpu.memory_space<hbm>>
        tpu.enqueue_dma source(%dma_start3A_218 : memref<19264xf32, #tpu.memory_space<hbm>>) target(%arg8 : memref<19264xf32, #tpu.memory_space<vmem>>) target_semaphore(%run_scoped3A : memref<!tpu.dma_semaphore, #tpu.memory_space<semaphore_mem>>)
        %dma_wait3A_219 = arith.constant 0 : i32
        %dma_wait3A_220 = tpu.memref_slice %arg2[%add3A, %dma_wait3A_219] : memref<8x19264xf32, #tpu.memory_space<hbm>> -> memref<1x19264xf32, #tpu.memory_space<hbm>>
        %dma_wait3A_221 = tpu.memref_squeeze %dma_wait3A_220 : memref<1x19264xf32, #tpu.memory_space<hbm>> -> memref<19264xf32, #tpu.memory_space<hbm>>
        %dma_wait3A_222 = arith.constant 0 : i32
        %dma_wait3A_223 = tpu.memref_slice %arg2[%add3A, %dma_wait3A_222] : memref<8x19264xf32, #tpu.memory_space<hbm>> -> memref<1x19264xf32, #tpu.memory_space<hbm>>
        %dma_wait3A_224 = tpu.memref_squeeze %dma_wait3A_223 : memref<1x19264xf32, #tpu.memory_space<hbm>> -> memref<19264xf32, #tpu.memory_space<hbm>>
        tpu.wait_dma2 semaphore(%run_scoped3A : memref<!tpu.dma_semaphore, #tpu.memory_space<semaphore_mem>>) src(%dma_wait3A_224 : memref<19264xf32, #tpu.memory_space<hbm>>) dst(%arg8 : memref<19264xf32, #tpu.memory_space<vmem>>)
        tpu.yield
      }) : () -> ()
      "tpu.region"() ({
        %run_scoped3A = tpu.sem_alloc : memref<!tpu.dma_semaphore, #tpu.memory_space<semaphore_mem>>
        %dma_start3A_213 = arith.constant 0 : i32
        %dma_start3A_214 = tpu.memref_slice %arg3[%add3A, %dma_start3A_213] : memref<8x384xi32, #tpu.memory_space<hbm>> -> memref<1x384xi32, #tpu.memory_space<hbm>>
        %dma_start3A_215 = tpu.memref_squeeze %dma_start3A_214 : memref<1x384xi32, #tpu.memory_space<hbm>> -> memref<384xi32, #tpu.memory_space<hbm>>
        %dma_start3A_216 = arith.constant 0 : i32
        %dma_start3A_217 = tpu.memref_slice %arg3[%add3A, %dma_start3A_216] : memref<8x384xi32, #tpu.memory_space<hbm>> -> memref<1x384xi32, #tpu.memory_space<hbm>>
        %dma_start3A_218 = tpu.memref_squeeze %dma_start3A_217 : memref<1x384xi32, #tpu.memory_space<hbm>> -> memref<384xi32, #tpu.memory_space<hbm>>
        tpu.enqueue_dma source(%dma_start3A_218 : memref<384xi32, #tpu.memory_space<hbm>>) target(%arg9 : memref<384xi32, #tpu.memory_space<vmem>>) target_semaphore(%run_scoped3A : memref<!tpu.dma_semaphore, #tpu.memory_space<semaphore_mem>>)
        %dma_wait3A_219 = arith.constant 0 : i32
        %dma_wait3A_220 = tpu.memref_slice %arg3[%add3A, %dma_wait3A_219] : memref<8x384xi32, #tpu.memory_space<hbm>> -> memref<1x384xi32, #tpu.memory_space<hbm>>
        %dma_wait3A_221 = tpu.memref_squeeze %dma_wait3A_220 : memref<1x384xi32, #tpu.memory_space<hbm>> -> memref<384xi32, #tpu.memory_space<hbm>>
        %dma_wait3A_222 = arith.constant 0 : i32
        %dma_wait3A_223 = tpu.memref_slice %arg3[%add3A, %dma_wait3A_222] : memref<8x384xi32, #tpu.memory_space<hbm>> -> memref<1x384xi32, #tpu.memory_space<hbm>>
        %dma_wait3A_224 = tpu.memref_squeeze %dma_wait3A_223 : memref<1x384xi32, #tpu.memory_space<hbm>> -> memref<384xi32, #tpu.memory_space<hbm>>
        tpu.wait_dma2 semaphore(%run_scoped3A : memref<!tpu.dma_semaphore, #tpu.memory_space<semaphore_mem>>) src(%dma_wait3A_224 : memref<384xi32, #tpu.memory_space<hbm>>) dst(%arg9 : memref<384xi32, #tpu.memory_space<vmem>>)
        tpu.yield
      }) : () -> ()
      %iota3A = tpu.iota {dimensions = array<i32: 0>} : vector<16xi32>
      %eq3A_141 = arith.constant 0 : i32
      %eq3A_142 = vector.broadcast %eq3A_141 : i32 to vector<16xi32>
      %eq3A_143 = arith.cmpi eq, %iota3A, %eq3A_142 : vector<16xi32>
      %get3A = arith.constant 0 : index
      %get3A_144 = tpu.vector_load %arg9[%get3A] {strides = array<i32>} : memref<384xi32, #tpu.memory_space<vmem>>, vector<16xi32>,
      %jit3A_145 = arith.constant 0 : i32
      %broadcast_in_dim3A = vector.broadcast %jit3A_145 : i32 to vector<16xi32>
      %select_n3A_146 = arith.select %eq3A_143, %get3A_144, %broadcast_in_dim3A : vector<16xi1>, vector<16xi32>
      %reduce_sum3A = arith.constant true
      %reduce_sum3A_147 = vector.broadcast %reduce_sum3A : i1 to vector<16xi1>
      %reduce_sum3A_148 = tpu.scan <sum>, %select_n3A_146 masked %reduce_sum3A_147 : vector<16xi32>, vector<16xi1> -> vector<16xi32>
      %reduce_sum3A_149 = vector.extract %reduce_sum3A_148[15] : i32 from vector<16xi32>
      %get3A_150 = arith.constant 128 : index
      %get3A_151 = tpu.vector_load %arg9[%get3A_150] {strides = array<i32>} : memref<384xi32, #tpu.memory_space<vmem>>, vector<16xi32>,
      %jit3A_152 = arith.constant 0 : i32
      %broadcast_in_dim3A_153 = vector.broadcast %jit3A_152 : i32 to vector<16xi32>
      %select_n3A_154 = arith.select %eq3A_143, %get3A_151, %broadcast_in_dim3A_153 : vector<16xi1>, vector<16xi32>
      %reduce_sum3A_155 = arith.constant true
      %reduce_sum3A_156 = vector.broadcast %reduce_sum3A_155 : i1 to vector<16xi1>
      %reduce_sum3A_157 = tpu.scan <sum>, %select_n3A_154 masked %reduce_sum3A_156 : vector<16xi32>, vector<16xi1> -> vector<16xi32>
      %reduce_sum3A_158 = vector.extract %reduce_sum3A_157[15] : i32 from vector<16xi32>
      %get3A_159 = arith.constant 256 : index
      %get3A_160 = tpu.vector_load %arg9[%get3A_159] {strides = array<i32>} : memref<384xi32, #tpu.memory_space<vmem>>, vector<16xi32>,
      %jit3A_161 = arith.constant 0 : i32
      %broadcast_in_dim3A_162 = vector.broadcast %jit3A_161 : i32 to vector<16xi32>
      %select_n3A_163 = arith.select %eq3A_143, %get3A_160, %broadcast_in_dim3A_162 : vector<16xi1>, vector<16xi32>
      %reduce_sum3A_164 = arith.constant true
      %reduce_sum3A_165 = vector.broadcast %reduce_sum3A_164 : i1 to vector<16xi1>
      %reduce_sum3A_166 = tpu.scan <sum>, %select_n3A_163 masked %reduce_sum3A_165 : vector<16xi32>, vector<16xi1> -> vector<16xi32>
      %reduce_sum3A_167 = vector.extract %reduce_sum3A_166[15] : i32 from vector<16xi32>
      %broadcast_in_dim3A_168 = arith.constant 0 : i32
      %broadcast_in_dim3A_169 = vector.broadcast %broadcast_in_dim3A_168 : i32 to vector<16xi32>
      %broadcast_in_dim3A_170 = arith.constant 0.000000e+00 : f32
      %broadcast_in_dim3A_171 = vector.broadcast %broadcast_in_dim3A_170 : f32 to vector<16xf32>
      %jit3A_172 = arith.constant 16 : i32
      %div3A_173 = arith.divsi %reduce_sum3A_167, %jit3A_172 : i32
      %sign3A_174 = arith.constant 0 : i32
      %sign3A_175 = arith.cmpi sgt, %reduce_sum3A_167, %sign3A_174 : i32
      %sign3A_176 = arith.extui %sign3A_175 : i1 to i32
      %sign3A_177 = arith.constant 0 : i32
      %sign3A_178 = arith.cmpi slt, %reduce_sum3A_167, %sign3A_177 : i32
      %sign3A_179 = arith.extui %sign3A_178 : i1 to i32
      %sign3A_180 = arith.subi %sign3A_176, %sign3A_179 : i32
      %sign3A_181 = arith.constant 0 : i32
      %sign3A_182 = arith.cmpi sgt, %jit3A_172, %sign3A_181 : i32
      %sign3A_183 = arith.extui %sign3A_182 : i1 to i32
      %sign3A_184 = arith.constant 0 : i32
      %sign3A_185 = arith.cmpi slt, %jit3A_172, %sign3A_184 : i32
      %sign3A_186 = arith.extui %sign3A_185 : i1 to i32
      %sign3A_187 = arith.subi %sign3A_183, %sign3A_186 : i32
      %ne3A_188 = arith.cmpi ne, %sign3A_180, %sign3A_187 : i32
      %rem3A_189 = arith.remsi %reduce_sum3A_167, %jit3A_172 : i32
      %ne3A_190 = arith.constant 0 : i32
      %ne3A_191 = arith.cmpi ne, %rem3A_189, %ne3A_190 : i32
      %and3A_192 = arith.andi %ne3A_188, %ne3A_191 : i1
      %sub3A_193 = arith.constant 1 : i32
      %sub3A_194 = arith.subi %div3A_173, %sub3A_193 : i32
      %select_n3A_195 = arith.select %and3A_192, %sub3A_194, %div3A_173 : i32
      %while3A = arith.constant 129 : i32
      %while3A_196 = arith.constant 0 : i32
      %while3A_197 = arith.subi %while3A, %select_n3A_195 : i32
      %while3A_198 = arith.addi %select_n3A_195, %while3A_197 : i32
      %while3A_199 = arith.constant 1 : i32
      %while3A_200 = arith.divsi %while3A_197, %while3A_199 : i32
      %while3A_201 = arith.muli %while3A_200, %while3A_199 : i32
      %while3A_202 = arith.addi %select_n3A_195, %while3A_201 : i32
      %while3A_203 = arith.constant 1 : i32
      %while3A_204 = scf.for %while3A_213 = %select_n3A_195 to %while3A_202 step %while3A_203 iter_args(%while3A_214 = %while3A_196) -> (i32)  : i32 {
        %mul3A_215 = arith.constant 16 : i32
        %mul3A_216 = arith.muli %while3A_213, %mul3A_215 : i32
        %swap3A = arith.index_cast %mul3A_216 : i32 to index
        %swap3A_217 = tpu.vector_load %arg10[%swap3A] {strides = array<i32>} : memref<2064xi32, #tpu.memory_space<vmem>>, vector<16xi32>,
        tpu.vector_store %arg10[%swap3A], %broadcast_in_dim3A_169 {strides = array<i32>} : memref<2064xi32, #tpu.memory_space<vmem>>, vector<16xi32>,
        %mul3A_218 = arith.constant 16 : i32
        %mul3A_219 = arith.muli %while3A_213, %mul3A_218 : i32
        %swap3A_220 = arith.index_cast %mul3A_219 : i32 to index
        %swap3A_221 = tpu.vector_load %arg11[%swap3A_220] {strides = array<i32>} : memref<2064xf32, #tpu.memory_space<vmem>>, vector<16xf32>,
        tpu.vector_store %arg11[%swap3A_220], %broadcast_in_dim3A_171 {strides = array<i32>} : memref<2064xf32, #tpu.memory_space<vmem>>, vector<16xf32>,
        %while3A_222 = arith.constant 0 : i32
        scf.yield %while3A_222 : i32
      }
      %while3A_205 = arith.constant 1 : i32
      %while3A_206 = scf.for %while3A_213 = %while3A_202 to %while3A_198 step %while3A_205 iter_args(%while3A_214 = %while3A_204) -> (i32)  : i32 {
        %mul3A_215 = arith.constant 16 : i32
        %mul3A_216 = arith.muli %while3A_213, %mul3A_215 : i32
        %swap3A = arith.index_cast %mul3A_216 : i32 to index
        %swap3A_217 = tpu.vector_load %arg10[%swap3A] {strides = array<i32>} : memref<2064xi32, #tpu.memory_space<vmem>>, vector<16xi32>,
        tpu.vector_store %arg10[%swap3A], %broadcast_in_dim3A_169 {strides = array<i32>} : memref<2064xi32, #tpu.memory_space<vmem>>, vector<16xi32>,
        %mul3A_218 = arith.constant 16 : i32
        %mul3A_219 = arith.muli %while3A_213, %mul3A_218 : i32
        %swap3A_220 = arith.index_cast %mul3A_219 : i32 to index
        %swap3A_221 = tpu.vector_load %arg11[%swap3A_220] {strides = array<i32>} : memref<2064xf32, #tpu.memory_space<vmem>>, vector<16xf32>,
        tpu.vector_store %arg11[%swap3A_220], %broadcast_in_dim3A_171 {strides = array<i32>} : memref<2064xf32, #tpu.memory_space<vmem>>, vector<16xf32>,
        %while3A_222 = arith.constant 0 : i32
        scf.yield %while3A_222 : i32
      }
      %scan3A = arith.constant 0 : i32
      %scan3A_207 = arith.constant 0 : i32
      %scan3A_208 = arith.constant 1204 : i32
      %scan3A_209 = arith.addi %scan3A_207, %scan3A_208 : i32
      %scan3A_210 = arith.constant 1 : i32
      %scan3A_211 = scf.for %scan3A_213 = %scan3A_207 to %scan3A_209 step %scan3A_210 iter_args(%scan3A_214 = %scan3A) -> (i32)  : i32 {
        %mul3A_215 = arith.constant 16 : i32
        %mul3A_216 = arith.muli %scan3A_213, %mul3A_215 : i32
        %get3A_217 = arith.index_cast %mul3A_216 : i32 to index
        %get3A_218 = tpu.vector_load %arg8[%get3A_217] {strides = array<i32>} : memref<19264xf32, #tpu.memory_space<vmem>>, vector<16xf32>,
        %bitcast3A = vector.bitcast %get3A_218 : vector<16xf32> to vector<16xi32>
        %iota3A_219 = tpu.iota {dimensions = array<i32: 0>} : vector<16xi32>
        %mul3A_220 = arith.constant 16 : i32
        %mul3A_221 = arith.muli %scan3A_213, %mul3A_220 : i32
        %add3A_222 = vector.broadcast %mul3A_221 : i32 to vector<16xi32>
        %add3A_223 = arith.addi %iota3A_219, %add3A_222 : vector<16xi32>
        %gt3A = vector.broadcast %reduce_sum3A_149 : i32 to vector<16xi32>
        %gt3A_224 = arith.cmpi sgt, %bitcast3A, %gt3A : vector<16xi32>
        %eq3A_225 = vector.broadcast %reduce_sum3A_149 : i32 to vector<16xi32>
        %eq3A_226 = arith.cmpi eq, %bitcast3A, %eq3A_225 : vector<16xi32>
        %le3A = vector.broadcast %reduce_sum3A_158 : i32 to vector<16xi32>
        %le3A_227 = arith.cmpi sle, %add3A_223, %le3A : vector<16xi32>
        %and3A_228 = arith.andi %eq3A_226, %le3A_227 : vector<16xi1>
        %or3A = arith.ori %gt3A_224, %and3A_228 : vector<16xi1>
        %swap3A = arith.index_cast %scan3A_214 : i32 to index
        %swap3A_229 = tpu.vector_load %arg10[%swap3A] masked %or3A {strides = array<i32>} : memref<2064xi32, #tpu.memory_space<vmem>>, vector<16xi32>, vector<16xi1>
        tpu.vector_store %arg10[%swap3A], %add3A_223 masked %or3A {strides = array<i32>} : memref<2064xi32, #tpu.memory_space<vmem>>, vector<16xi32>, vector<16xi1>
        %swap3A_230 = arith.index_cast %scan3A_214 : i32 to index
        %swap3A_231 = tpu.vector_load %arg11[%swap3A_230] masked %or3A {strides = array<i32>} : memref<2064xf32, #tpu.memory_space<vmem>>, vector<16xf32>, vector<16xi1>
        tpu.vector_store %arg11[%swap3A_230], %get3A_218 masked %or3A {strides = array<i32>} : memref<2064xf32, #tpu.memory_space<vmem>>, vector<16xf32>, vector<16xi1>
        %convert_element_type3A_232 = arith.extui %or3A : vector<16xi1> to vector<16xi32>
        %reduce_sum3A_233 = arith.constant true
        %reduce_sum3A_234 = vector.broadcast %reduce_sum3A_233 : i1 to vector<16xi1>
        %reduce_sum3A_235 = tpu.scan <sum>, %convert_element_type3A_232 masked %reduce_sum3A_234 : vector<16xi32>, vector<16xi1> -> vector<16xi32>
        %reduce_sum3A_236 = vector.extract %reduce_sum3A_235[15] : i32 from vector<16xi32>
        %add3A_237 = arith.addi %scan3A_214, %reduce_sum3A_236 : i32
        scf.yield %add3A_237 : i32
      }
      %scan3A_212 = arith.constant 1204 : i32
      "tpu.region"() ({
        %run_scoped3A = tpu.sem_alloc : memref<!tpu.dma_semaphore, #tpu.memory_space<semaphore_mem>>
        %dma_start3A_213 = arith.constant 0 : i32
        %dma_start3A_214 = tpu.memref_slice %arg11[%dma_start3A_213] : memref<2064xf32, #tpu.memory_space<vmem>> -> memref<2048xf32, #tpu.memory_space<vmem>>
        %dma_start3A_215 = arith.constant 0 : i32
        %dma_start3A_216 = tpu.memref_slice %arg6[%add3A, %dma_start3A_215] : memref<8x2048xf32, #tpu.memory_space<hbm>> -> memref<1x2048xf32, #tpu.memory_space<hbm>>
        %dma_start3A_217 = tpu.memref_squeeze %dma_start3A_216 : memref<1x2048xf32, #tpu.memory_space<hbm>> -> memref<2048xf32, #tpu.memory_space<hbm>>
        %dma_start3A_218 = arith.constant 0 : i32
        %dma_start3A_219 = tpu.memref_slice %arg6[%add3A, %dma_start3A_218] : memref<8x2048xf32, #tpu.memory_space<hbm>> -> memref<1x2048xf32, #tpu.memory_space<hbm>>
        %dma_start3A_220 = tpu.memref_squeeze %dma_start3A_219 : memref<1x2048xf32, #tpu.memory_space<hbm>> -> memref<2048xf32, #tpu.memory_space<hbm>>
        %dma_start3A_221 = arith.constant 0 : i32
        %dma_start3A_222 = tpu.memref_slice %arg11[%dma_start3A_221] : memref<2064xf32, #tpu.memory_space<vmem>> -> memref<2048xf32, #tpu.memory_space<vmem>>
        tpu.enqueue_dma source(%dma_start3A_222 : memref<2048xf32, #tpu.memory_space<vmem>>) target(%dma_start3A_220 : memref<2048xf32, #tpu.memory_space<hbm>>) target_semaphore(%run_scoped3A : memref<!tpu.dma_semaphore, #tpu.memory_space<semaphore_mem>>)
        %dma_wait3A_223 = arith.constant 0 : i32
        %dma_wait3A_224 = tpu.memref_slice %arg11[%dma_wait3A_223] : memref<2064xf32, #tpu.memory_space<vmem>> -> memref<2048xf32, #tpu.memory_space<vmem>>
        %dma_wait3A_225 = arith.constant 0 : i32
        %dma_wait3A_226 = tpu.memref_slice %arg6[%add3A, %dma_wait3A_225] : memref<8x2048xf32, #tpu.memory_space<hbm>> -> memref<1x2048xf32, #tpu.memory_space<hbm>>
        %dma_wait3A_227 = tpu.memref_squeeze %dma_wait3A_226 : memref<1x2048xf32, #tpu.memory_space<hbm>> -> memref<2048xf32, #tpu.memory_space<hbm>>
        %dma_wait3A_228 = arith.constant 0 : i32
        %dma_wait3A_229 = tpu.memref_slice %arg6[%add3A, %dma_wait3A_228] : memref<8x2048xf32, #tpu.memory_space<hbm>> -> memref<1x2048xf32, #tpu.memory_space<hbm>>
        %dma_wait3A_230 = tpu.memref_squeeze %dma_wait3A_229 : memref<1x2048xf32, #tpu.memory_space<hbm>> -> memref<2048xf32, #tpu.memory_space<hbm>>
        %dma_wait3A_231 = arith.constant 0 : i32
        %dma_wait3A_232 = tpu.memref_slice %arg11[%dma_wait3A_231] : memref<2064xf32, #tpu.memory_space<vmem>> -> memref<2048xf32, #tpu.memory_space<vmem>>
        tpu.wait_dma2 semaphore(%run_scoped3A : memref<!tpu.dma_semaphore, #tpu.memory_space<semaphore_mem>>) src(%dma_wait3A_232 : memref<2048xf32, #tpu.memory_space<vmem>>) dst(%dma_wait3A_230 : memref<2048xf32, #tpu.memory_space<hbm>>)
        tpu.yield
      }) : () -> ()
      "tpu.region"() ({
        %run_scoped3A = tpu.sem_alloc : memref<!tpu.dma_semaphore, #tpu.memory_space<semaphore_mem>>
        %dma_start3A_213 = arith.constant 0 : i32
        %dma_start3A_214 = tpu.memref_slice %arg10[%dma_start3A_213] : memref<2064xi32, #tpu.memory_space<vmem>> -> memref<2048xi32, #tpu.memory_space<vmem>>
        %dma_start3A_215 = arith.constant 0 : i32
        %dma_start3A_216 = tpu.memref_slice %arg7[%add3A, %dma_start3A_215] : memref<8x2048xi32, #tpu.memory_space<hbm>> -> memref<1x2048xi32, #tpu.memory_space<hbm>>
        %dma_start3A_217 = tpu.memref_squeeze %dma_start3A_216 : memref<1x2048xi32, #tpu.memory_space<hbm>> -> memref<2048xi32, #tpu.memory_space<hbm>>
        %dma_start3A_218 = arith.constant 0 : i32
        %dma_start3A_219 = tpu.memref_slice %arg7[%add3A, %dma_start3A_218] : memref<8x2048xi32, #tpu.memory_space<hbm>> -> memref<1x2048xi32, #tpu.memory_space<hbm>>
        %dma_start3A_220 = tpu.memref_squeeze %dma_start3A_219 : memref<1x2048xi32, #tpu.memory_space<hbm>> -> memref<2048xi32, #tpu.memory_space<hbm>>
        %dma_start3A_221 = arith.constant 0 : i32
        %dma_start3A_222 = tpu.memref_slice %arg10[%dma_start3A_221] : memref<2064xi32, #tpu.memory_space<vmem>> -> memref<2048xi32, #tpu.memory_space<vmem>>
        tpu.enqueue_dma source(%dma_start3A_222 : memref<2048xi32, #tpu.memory_space<vmem>>) target(%dma_start3A_220 : memref<2048xi32, #tpu.memory_space<hbm>>) target_semaphore(%run_scoped3A : memref<!tpu.dma_semaphore, #tpu.memory_space<semaphore_mem>>)
        %dma_wait3A_223 = arith.constant 0 : i32
        %dma_wait3A_224 = tpu.memref_slice %arg10[%dma_wait3A_223] : memref<2064xi32, #tpu.memory_space<vmem>> -> memref<2048xi32, #tpu.memory_space<vmem>>
        %dma_wait3A_225 = arith.constant 0 : i32
        %dma_wait3A_226 = tpu.memref_slice %arg7[%add3A, %dma_wait3A_225] : memref<8x2048xi32, #tpu.memory_space<hbm>> -> memref<1x2048xi32, #tpu.memory_space<hbm>>
        %dma_wait3A_227 = tpu.memref_squeeze %dma_wait3A_226 : memref<1x2048xi32, #tpu.memory_space<hbm>> -> memref<2048xi32, #tpu.memory_space<hbm>>
        %dma_wait3A_228 = arith.constant 0 : i32
        %dma_wait3A_229 = tpu.memref_slice %arg7[%add3A, %dma_wait3A_228] : memref<8x2048xi32, #tpu.memory_space<hbm>> -> memref<1x2048xi32, #tpu.memory_space<hbm>>
        %dma_wait3A_230 = tpu.memref_squeeze %dma_wait3A_229 : memref<1x2048xi32, #tpu.memory_space<hbm>> -> memref<2048xi32, #tpu.memory_space<hbm>>
        %dma_wait3A_231 = arith.constant 0 : i32
        %dma_wait3A_232 = tpu.memref_slice %arg10[%dma_wait3A_231] : memref<2064xi32, #tpu.memory_space<vmem>> -> memref<2048xi32, #tpu.memory_space<vmem>>
        tpu.wait_dma2 semaphore(%run_scoped3A : memref<!tpu.dma_semaphore, #tpu.memory_space<semaphore_mem>>) src(%dma_wait3A_232 : memref<2048xi32, #tpu.memory_space<vmem>>) dst(%dma_wait3A_230 : memref<2048xi32, #tpu.memory_space<hbm>>)
        tpu.yield
      }) : () -> ()
    } else {
    }
    %barrier3A = arith.constant 0 : index
    tpu.barrier barrier_id(%barrier3A)
    %jit3A = arith.constant 4 : i32
    %div3A = arith.divsi %arg1, %jit3A : i32
    %sign3A = arith.constant 0 : i32
    %sign3A_3 = arith.cmpi sgt, %arg1, %sign3A : i32
    %sign3A_4 = arith.extui %sign3A_3 : i1 to i32
    %sign3A_5 = arith.constant 0 : i32
    %sign3A_6 = arith.cmpi slt, %arg1, %sign3A_5 : i32
    %sign3A_7 = arith.extui %sign3A_6 : i1 to i32
    %sign3A_8 = arith.subi %sign3A_4, %sign3A_7 : i32
    %sign3A_9 = arith.constant 0 : i32
    %sign3A_10 = arith.cmpi sgt, %jit3A, %sign3A_9 : i32
    %sign3A_11 = arith.extui %sign3A_10 : i1 to i32
    %sign3A_12 = arith.constant 0 : i32
    %sign3A_13 = arith.cmpi slt, %jit3A, %sign3A_12 : i32
    %sign3A_14 = arith.extui %sign3A_13 : i1 to i32
    %sign3A_15 = arith.subi %sign3A_11, %sign3A_14 : i32
    %ne3A = arith.cmpi ne, %sign3A_8, %sign3A_15 : i32
    %rem3A = arith.remsi %arg1, %jit3A : i32
    %ne3A_16 = arith.constant 0 : i32
    %ne3A_17 = arith.cmpi ne, %rem3A, %ne3A_16 : i32
    %and3A = arith.andi %ne3A, %ne3A_17 : i1
    %sub3A = arith.constant 1 : i32
    %sub3A_18 = arith.subi %div3A, %sub3A : i32
    %select_n3A = arith.select %and3A, %sub3A_18, %div3A : i32
    %mul3A_19 = arith.constant 2 : i32
    %mul3A_20 = arith.muli %select_n3A, %mul3A_19 : i32
    %add3A_21 = arith.addi %mul3A_20, %arg0 : i32
    %jit3A_22 = arith.constant 4 : i32
    %eq3A = arith.constant 0 : i32
    %eq3A_23 = arith.cmpi eq, %jit3A_22, %eq3A : i32
    %jit3A_24 = arith.constant 1 : i32
    %select_n3A_25 = arith.select %eq3A_23, %jit3A_24, %jit3A_22 : i32
    %rem3A_26 = arith.remsi %arg1, %select_n3A_25 : i32
    %ne3A_27 = arith.constant 0 : i32
    %ne3A_28 = arith.cmpi ne, %rem3A_26, %ne3A_27 : i32
    %lt3A_29 = arith.constant 0 : i32
    %lt3A_30 = arith.cmpi slt, %rem3A_26, %lt3A_29 : i32
    %lt3A_31 = arith.constant 0 : i32
    %lt3A_32 = arith.cmpi slt, %select_n3A_25, %lt3A_31 : i32
    %ne3A_33 = arith.xori %lt3A_30, %lt3A_32 : i1
    %and3A_34 = arith.andi %ne3A_33, %ne3A_28 : i1
    %add3A_35 = arith.addi %rem3A_26, %select_n3A_25 : i32
    %select_n3A_36 = arith.select %and3A_34, %add3A_35, %rem3A_26 : i32
    %mul3A_37 = arith.constant 512 : i32
    %mul3A_38 = arith.muli %select_n3A_36, %mul3A_37 : i32
    "tpu.region"() ({
      %run_scoped3A = tpu.sem_alloc : memref<!tpu.dma_semaphore, #tpu.memory_space<semaphore_mem>>
      %dma_start3A_141 = tpu.memref_slice %arg7[%add3A_21, %mul3A_38] : memref<8x2048xi32, #tpu.memory_space<hbm>> -> memref<1x512xi32, #tpu.memory_space<hbm>>
      %dma_start3A_142 = tpu.memref_squeeze %dma_start3A_141 : memref<1x512xi32, #tpu.memory_space<hbm>> -> memref<512xi32, #tpu.memory_space<hbm>>
      %dma_start3A_143 = tpu.memref_slice %arg7[%add3A_21, %mul3A_38] : memref<8x2048xi32, #tpu.memory_space<hbm>> -> memref<1x512xi32, #tpu.memory_space<hbm>>
      %dma_start3A_144 = tpu.memref_squeeze %dma_start3A_143 : memref<1x512xi32, #tpu.memory_space<hbm>> -> memref<512xi32, #tpu.memory_space<hbm>>
      tpu.enqueue_dma source(%dma_start3A_144 : memref<512xi32, #tpu.memory_space<hbm>>) target(%arg12 : memref<512xi32, #tpu.memory_space<vmem>>) target_semaphore(%run_scoped3A : memref<!tpu.dma_semaphore, #tpu.memory_space<semaphore_mem>>)
      %dma_wait3A_145 = tpu.memref_slice %arg7[%add3A_21, %mul3A_38] : memref<8x2048xi32, #tpu.memory_space<hbm>> -> memref<1x512xi32, #tpu.memory_space<hbm>>
      %dma_wait3A_146 = tpu.memref_squeeze %dma_wait3A_145 : memref<1x512xi32, #tpu.memory_space<hbm>> -> memref<512xi32, #tpu.memory_space<hbm>>
      %dma_wait3A_147 = tpu.memref_slice %arg7[%add3A_21, %mul3A_38] : memref<8x2048xi32, #tpu.memory_space<hbm>> -> memref<1x512xi32, #tpu.memory_space<hbm>>
      %dma_wait3A_148 = tpu.memref_squeeze %dma_wait3A_147 : memref<1x512xi32, #tpu.memory_space<hbm>> -> memref<512xi32, #tpu.memory_space<hbm>>
      tpu.wait_dma2 semaphore(%run_scoped3A : memref<!tpu.dma_semaphore, #tpu.memory_space<semaphore_mem>>) src(%dma_wait3A_148 : memref<512xi32, #tpu.memory_space<hbm>>) dst(%arg12 : memref<512xi32, #tpu.memory_space<vmem>>)
      tpu.yield
    }) : () -> ()
    %dma_start3A = arith.constant 0 : i32
    %dma_start3A_39 = tpu.memref_slice %arg12[%dma_start3A] : memref<512xi32, #tpu.memory_space<vmem>> -> memref<128xi32, #tpu.memory_space<vmem>>
    %dma_start3A_40 = arith.constant 0 : i32
    %dma_start3A_41 = arith.constant 0 : i32
    %dma_start3A_42 = tpu.memref_slice %arg4[%dma_start3A_40, %dma_start3A_41] : memref<19264x256xf32, #tpu.memory_space<hbm>> -> memref<19264x256xf32, #tpu.memory_space<hbm>>
    tpu.enqueue_indirect_dma source(%dma_start3A_42 : memref<19264x256xf32, #tpu.memory_space<hbm>>) target(%arg13 : memref<128x256xf32, #tpu.memory_space<vmem>>) offsets(%dma_start3A_39 : memref<128xi32, #tpu.memory_space<vmem>>) semaphore(%arg15 : memref<!tpu.dma_semaphore, #tpu.memory_space<semaphore_mem>>)
    %dma_wait3A = arith.constant 0 : i32
    %dma_wait3A_43 = tpu.memref_slice %arg12[%dma_wait3A] : memref<512xi32, #tpu.memory_space<vmem>> -> memref<128xi32, #tpu.memory_space<vmem>>
    %dma_wait3A_44 = arith.constant 0 : i32
    %dma_wait3A_45 = arith.constant 0 : i32
    %dma_wait3A_46 = tpu.memref_slice %arg4[%dma_wait3A_44, %dma_wait3A_45] : memref<19264x256xf32, #tpu.memory_space<hbm>> -> memref<19264x256xf32, #tpu.memory_space<hbm>>
    tpu.wait_indirect_dma semaphore(%arg15 : memref<!tpu.dma_semaphore, #tpu.memory_space<semaphore_mem>>) src(%dma_wait3A_46 : memref<19264x256xf32, #tpu.memory_space<hbm>>) dst(%arg13 : memref<128x256xf32, #tpu.memory_space<vmem>>)
    %mul3A_47 = arith.constant 512 : i32
    %mul3A_48 = arith.muli %select_n3A_36, %mul3A_47 : i32
    %add3A_49 = arith.constant 0 : i32
    %add3A_50 = arith.addi %mul3A_48, %add3A_49 : i32
    %dma_start3A_51 = arith.constant 0 : i32
    %dma_start3A_52 = tpu.memref_slice %arg5[%add3A_21, %add3A_50, %dma_start3A_51] : memref<8x2048x256xf32, #tpu.memory_space<hbm>> -> memref<1x128x256xf32, #tpu.memory_space<hbm>>
    %dma_start3A_53 = tpu.memref_squeeze %dma_start3A_52 : memref<1x128x256xf32, #tpu.memory_space<hbm>> -> memref<128x256xf32, #tpu.memory_space<hbm>>
    %dma_start3A_54 = arith.constant 0 : i32
    %dma_start3A_55 = tpu.memref_slice %arg5[%add3A_21, %add3A_50, %dma_start3A_54] : memref<8x2048x256xf32, #tpu.memory_space<hbm>> -> memref<1x128x256xf32, #tpu.memory_space<hbm>>
    %dma_start3A_56 = tpu.memref_squeeze %dma_start3A_55 : memref<1x128x256xf32, #tpu.memory_space<hbm>> -> memref<128x256xf32, #tpu.memory_space<hbm>>
    tpu.enqueue_dma source(%arg13 : memref<128x256xf32, #tpu.memory_space<vmem>>) target(%dma_start3A_56 : memref<128x256xf32, #tpu.memory_space<hbm>>) target_semaphore(%arg16 : memref<!tpu.dma_semaphore, #tpu.memory_space<semaphore_mem>>)
    %dma_start3A_57 = arith.constant 128 : i32
    %dma_start3A_58 = tpu.memref_slice %arg12[%dma_start3A_57] : memref<512xi32, #tpu.memory_space<vmem>> -> memref<128xi32, #tpu.memory_space<vmem>>
    %dma_start3A_59 = arith.constant 0 : i32
    %dma_start3A_60 = arith.constant 0 : i32
    %dma_start3A_61 = tpu.memref_slice %arg4[%dma_start3A_59, %dma_start3A_60] : memref<19264x256xf32, #tpu.memory_space<hbm>> -> memref<19264x256xf32, #tpu.memory_space<hbm>>
    tpu.enqueue_indirect_dma source(%dma_start3A_61 : memref<19264x256xf32, #tpu.memory_space<hbm>>) target(%arg14 : memref<128x256xf32, #tpu.memory_space<vmem>>) offsets(%dma_start3A_58 : memref<128xi32, #tpu.memory_space<vmem>>) semaphore(%arg15 : memref<!tpu.dma_semaphore, #tpu.memory_space<semaphore_mem>>)
    %dma_wait3A_62 = arith.constant 128 : i32
    %dma_wait3A_63 = tpu.memref_slice %arg12[%dma_wait3A_62] : memref<512xi32, #tpu.memory_space<vmem>> -> memref<128xi32, #tpu.memory_space<vmem>>
    %dma_wait3A_64 = arith.constant 0 : i32
    %dma_wait3A_65 = arith.constant 0 : i32
    %dma_wait3A_66 = tpu.memref_slice %arg4[%dma_wait3A_64, %dma_wait3A_65] : memref<19264x256xf32, #tpu.memory_space<hbm>> -> memref<19264x256xf32, #tpu.memory_space<hbm>>
    tpu.wait_indirect_dma semaphore(%arg15 : memref<!tpu.dma_semaphore, #tpu.memory_space<semaphore_mem>>) src(%dma_wait3A_66 : memref<19264x256xf32, #tpu.memory_space<hbm>>) dst(%arg14 : memref<128x256xf32, #tpu.memory_space<vmem>>)
    %dma_wait3A_67 = arith.constant 0 : i32
    %dma_wait3A_68 = tpu.memref_slice %arg5[%add3A_21, %add3A_50, %dma_wait3A_67] : memref<8x2048x256xf32, #tpu.memory_space<hbm>> -> memref<1x128x256xf32, #tpu.memory_space<hbm>>
    %dma_wait3A_69 = tpu.memref_squeeze %dma_wait3A_68 : memref<1x128x256xf32, #tpu.memory_space<hbm>> -> memref<128x256xf32, #tpu.memory_space<hbm>>
    %dma_wait3A_70 = arith.constant 0 : i32
    %dma_wait3A_71 = tpu.memref_slice %arg5[%add3A_21, %add3A_50, %dma_wait3A_70] : memref<8x2048x256xf32, #tpu.memory_space<hbm>> -> memref<1x128x256xf32, #tpu.memory_space<hbm>>
    %dma_wait3A_72 = tpu.memref_squeeze %dma_wait3A_71 : memref<1x128x256xf32, #tpu.memory_space<hbm>> -> memref<128x256xf32, #tpu.memory_space<hbm>>
    tpu.wait_dma2 semaphore(%arg16 : memref<!tpu.dma_semaphore, #tpu.memory_space<semaphore_mem>>) src(%arg13 : memref<128x256xf32, #tpu.memory_space<vmem>>) dst(%dma_wait3A_72 : memref<128x256xf32, #tpu.memory_space<hbm>>)
    %mul3A_73 = arith.constant 512 : i32
    %mul3A_74 = arith.muli %select_n3A_36, %mul3A_73 : i32
    %add3A_75 = arith.constant 128 : i32
    %add3A_76 = arith.addi %mul3A_74, %add3A_75 : i32
    %dma_start3A_77 = arith.constant 0 : i32
    %dma_start3A_78 = tpu.memref_slice %arg5[%add3A_21, %add3A_76, %dma_start3A_77] : memref<8x2048x256xf32, #tpu.memory_space<hbm>> -> memref<1x128x256xf32, #tpu.memory_space<hbm>>
    %dma_start3A_79 = tpu.memref_squeeze %dma_start3A_78 : memref<1x128x256xf32, #tpu.memory_space<hbm>> -> memref<128x256xf32, #tpu.memory_space<hbm>>
    %dma_start3A_80 = arith.constant 0 : i32
    %dma_start3A_81 = tpu.memref_slice %arg5[%add3A_21, %add3A_76, %dma_start3A_80] : memref<8x2048x256xf32, #tpu.memory_space<hbm>> -> memref<1x128x256xf32, #tpu.memory_space<hbm>>
    %dma_start3A_82 = tpu.memref_squeeze %dma_start3A_81 : memref<1x128x256xf32, #tpu.memory_space<hbm>> -> memref<128x256xf32, #tpu.memory_space<hbm>>
    tpu.enqueue_dma source(%arg14 : memref<128x256xf32, #tpu.memory_space<vmem>>) target(%dma_start3A_82 : memref<128x256xf32, #tpu.memory_space<hbm>>) target_semaphore(%arg16 : memref<!tpu.dma_semaphore, #tpu.memory_space<semaphore_mem>>)
    %dma_start3A_83 = arith.constant 256 : i32
    %dma_start3A_84 = tpu.memref_slice %arg12[%dma_start3A_83] : memref<512xi32, #tpu.memory_space<vmem>> -> memref<128xi32, #tpu.memory_space<vmem>>
    %dma_start3A_85 = arith.constant 0 : i32
    %dma_start3A_86 = arith.constant 0 : i32
    %dma_start3A_87 = tpu.memref_slice %arg4[%dma_start3A_85, %dma_start3A_86] : memref<19264x256xf32, #tpu.memory_space<hbm>> -> memref<19264x256xf32, #tpu.memory_space<hbm>>
    tpu.enqueue_indirect_dma source(%dma_start3A_87 : memref<19264x256xf32, #tpu.memory_space<hbm>>) target(%arg13 : memref<128x256xf32, #tpu.memory_space<vmem>>) offsets(%dma_start3A_84 : memref<128xi32, #tpu.memory_space<vmem>>) semaphore(%arg15 : memref<!tpu.dma_semaphore, #tpu.memory_space<semaphore_mem>>)
    %dma_wait3A_88 = arith.constant 256 : i32
    %dma_wait3A_89 = tpu.memref_slice %arg12[%dma_wait3A_88] : memref<512xi32, #tpu.memory_space<vmem>> -> memref<128xi32, #tpu.memory_space<vmem>>
    %dma_wait3A_90 = arith.constant 0 : i32
    %dma_wait3A_91 = arith.constant 0 : i32
    %dma_wait3A_92 = tpu.memref_slice %arg4[%dma_wait3A_90, %dma_wait3A_91] : memref<19264x256xf32, #tpu.memory_space<hbm>> -> memref<19264x256xf32, #tpu.memory_space<hbm>>
    tpu.wait_indirect_dma semaphore(%arg15 : memref<!tpu.dma_semaphore, #tpu.memory_space<semaphore_mem>>) src(%dma_wait3A_92 : memref<19264x256xf32, #tpu.memory_space<hbm>>) dst(%arg13 : memref<128x256xf32, #tpu.memory_space<vmem>>)
    %dma_wait3A_93 = arith.constant 0 : i32
    %dma_wait3A_94 = tpu.memref_slice %arg5[%add3A_21, %add3A_76, %dma_wait3A_93] : memref<8x2048x256xf32, #tpu.memory_space<hbm>> -> memref<1x128x256xf32, #tpu.memory_space<hbm>>
    %dma_wait3A_95 = tpu.memref_squeeze %dma_wait3A_94 : memref<1x128x256xf32, #tpu.memory_space<hbm>> -> memref<128x256xf32, #tpu.memory_space<hbm>>
    %dma_wait3A_96 = arith.constant 0 : i32
    %dma_wait3A_97 = tpu.memref_slice %arg5[%add3A_21, %add3A_76, %dma_wait3A_96] : memref<8x2048x256xf32, #tpu.memory_space<hbm>> -> memref<1x128x256xf32, #tpu.memory_space<hbm>>
    %dma_wait3A_98 = tpu.memref_squeeze %dma_wait3A_97 : memref<1x128x256xf32, #tpu.memory_space<hbm>> -> memref<128x256xf32, #tpu.memory_space<hbm>>
    tpu.wait_dma2 semaphore(%arg16 : memref<!tpu.dma_semaphore, #tpu.memory_space<semaphore_mem>>) src(%arg14 : memref<128x256xf32, #tpu.memory_space<vmem>>) dst(%dma_wait3A_98 : memref<128x256xf32, #tpu.memory_space<hbm>>)
    %mul3A_99 = arith.constant 512 : i32
    %mul3A_100 = arith.muli %select_n3A_36, %mul3A_99 : i32
    %add3A_101 = arith.constant 256 : i32
    %add3A_102 = arith.addi %mul3A_100, %add3A_101 : i32
    %dma_start3A_103 = arith.constant 0 : i32
    %dma_start3A_104 = tpu.memref_slice %arg5[%add3A_21, %add3A_102, %dma_start3A_103] : memref<8x2048x256xf32, #tpu.memory_space<hbm>> -> memref<1x128x256xf32, #tpu.memory_space<hbm>>
    %dma_start3A_105 = tpu.memref_squeeze %dma_start3A_104 : memref<1x128x256xf32, #tpu.memory_space<hbm>> -> memref<128x256xf32, #tpu.memory_space<hbm>>
    %dma_start3A_106 = arith.constant 0 : i32
    %dma_start3A_107 = tpu.memref_slice %arg5[%add3A_21, %add3A_102, %dma_start3A_106] : memref<8x2048x256xf32, #tpu.memory_space<hbm>> -> memref<1x128x256xf32, #tpu.memory_space<hbm>>
    %dma_start3A_108 = tpu.memref_squeeze %dma_start3A_107 : memref<1x128x256xf32, #tpu.memory_space<hbm>> -> memref<128x256xf32, #tpu.memory_space<hbm>>
    tpu.enqueue_dma source(%arg13 : memref<128x256xf32, #tpu.memory_space<vmem>>) target(%dma_start3A_108 : memref<128x256xf32, #tpu.memory_space<hbm>>) target_semaphore(%arg16 : memref<!tpu.dma_semaphore, #tpu.memory_space<semaphore_mem>>)
    %dma_start3A_109 = arith.constant 384 : i32
    %dma_start3A_110 = tpu.memref_slice %arg12[%dma_start3A_109] : memref<512xi32, #tpu.memory_space<vmem>> -> memref<128xi32, #tpu.memory_space<vmem>>
    %dma_start3A_111 = arith.constant 0 : i32
    %dma_start3A_112 = arith.constant 0 : i32
    %dma_start3A_113 = tpu.memref_slice %arg4[%dma_start3A_111, %dma_start3A_112] : memref<19264x256xf32, #tpu.memory_space<hbm>> -> memref<19264x256xf32, #tpu.memory_space<hbm>>
    tpu.enqueue_indirect_dma source(%dma_start3A_113 : memref<19264x256xf32, #tpu.memory_space<hbm>>) target(%arg14 : memref<128x256xf32, #tpu.memory_space<vmem>>) offsets(%dma_start3A_110 : memref<128xi32, #tpu.memory_space<vmem>>) semaphore(%arg15 : memref<!tpu.dma_semaphore, #tpu.memory_space<semaphore_mem>>)
    %dma_wait3A_114 = arith.constant 384 : i32
    %dma_wait3A_115 = tpu.memref_slice %arg12[%dma_wait3A_114] : memref<512xi32, #tpu.memory_space<vmem>> -> memref<128xi32, #tpu.memory_space<vmem>>
    %dma_wait3A_116 = arith.constant 0 : i32
    %dma_wait3A_117 = arith.constant 0 : i32
    %dma_wait3A_118 = tpu.memref_slice %arg4[%dma_wait3A_116, %dma_wait3A_117] : memref<19264x256xf32, #tpu.memory_space<hbm>> -> memref<19264x256xf32, #tpu.memory_space<hbm>>
    tpu.wait_indirect_dma semaphore(%arg15 : memref<!tpu.dma_semaphore, #tpu.memory_space<semaphore_mem>>) src(%dma_wait3A_118 : memref<19264x256xf32, #tpu.memory_space<hbm>>) dst(%arg14 : memref<128x256xf32, #tpu.memory_space<vmem>>)
    %dma_wait3A_119 = arith.constant 0 : i32
    %dma_wait3A_120 = tpu.memref_slice %arg5[%add3A_21, %add3A_102, %dma_wait3A_119] : memref<8x2048x256xf32, #tpu.memory_space<hbm>> -> memref<1x128x256xf32, #tpu.memory_space<hbm>>
    %dma_wait3A_121 = tpu.memref_squeeze %dma_wait3A_120 : memref<1x128x256xf32, #tpu.memory_space<hbm>> -> memref<128x256xf32, #tpu.memory_space<hbm>>
    %dma_wait3A_122 = arith.constant 0 : i32
    %dma_wait3A_123 = tpu.memref_slice %arg5[%add3A_21, %add3A_102, %dma_wait3A_122] : memref<8x2048x256xf32, #tpu.memory_space<hbm>> -> memref<1x128x256xf32, #tpu.memory_space<hbm>>
    %dma_wait3A_124 = tpu.memref_squeeze %dma_wait3A_123 : memref<1x128x256xf32, #tpu.memory_space<hbm>> -> memref<128x256xf32, #tpu.memory_space<hbm>>
    tpu.wait_dma2 semaphore(%arg16 : memref<!tpu.dma_semaphore, #tpu.memory_space<semaphore_mem>>) src(%arg13 : memref<128x256xf32, #tpu.memory_space<vmem>>) dst(%dma_wait3A_124 : memref<128x256xf32, #tpu.memory_space<hbm>>)
    %mul3A_125 = arith.constant 512 : i32
    %mul3A_126 = arith.muli %select_n3A_36, %mul3A_125 : i32
    %add3A_127 = arith.constant 384 : i32
    %add3A_128 = arith.addi %mul3A_126, %add3A_127 : i32
    %dma_start3A_129 = arith.constant 0 : i32
    %dma_start3A_130 = tpu.memref_slice %arg5[%add3A_21, %add3A_128, %dma_start3A_129] : memref<8x2048x256xf32, #tpu.memory_space<hbm>> -> memref<1x128x256xf32, #tpu.memory_space<hbm>>
    %dma_start3A_131 = tpu.memref_squeeze %dma_start3A_130 : memref<1x128x256xf32, #tpu.memory_space<hbm>> -> memref<128x256xf32, #tpu.memory_space<hbm>>
    %dma_start3A_132 = arith.constant 0 : i32
    %dma_start3A_133 = tpu.memref_slice %arg5[%add3A_21, %add3A_128, %dma_start3A_132] : memref<8x2048x256xf32, #tpu.memory_space<hbm>> -> memref<1x128x256xf32, #tpu.memory_space<hbm>>
    %dma_start3A_134 = tpu.memref_squeeze %dma_start3A_133 : memref<1x128x256xf32, #tpu.memory_space<hbm>> -> memref<128x256xf32, #tpu.memory_space<hbm>>
    tpu.enqueue_dma source(%arg14 : memref<128x256xf32, #tpu.memory_space<vmem>>) target(%dma_start3A_134 : memref<128x256xf32, #tpu.memory_space<hbm>>) target_semaphore(%arg16 : memref<!tpu.dma_semaphore, #tpu.memory_space<semaphore_mem>>)
    %dma_wait3A_135 = arith.constant 0 : i32
    %dma_wait3A_136 = tpu.memref_slice %arg5[%add3A_21, %add3A_128, %dma_wait3A_135] : memref<8x2048x256xf32, #tpu.memory_space<hbm>> -> memref<1x128x256xf32, #tpu.memory_space<hbm>>
    %dma_wait3A_137 = tpu.memref_squeeze %dma_wait3A_136 : memref<1x128x256xf32, #tpu.memory_space<hbm>> -> memref<128x256xf32, #tpu.memory_space<hbm>>
    %dma_wait3A_138 = arith.constant 0 : i32
    %dma_wait3A_139 = tpu.memref_slice %arg5[%add3A_21, %add3A_128, %dma_wait3A_138] : memref<8x2048x256xf32, #tpu.memory_space<hbm>> -> memref<1x128x256xf32, #tpu.memory_space<hbm>>
    %dma_wait3A_140 = tpu.memref_squeeze %dma_wait3A_139 : memref<1x128x256xf32, #tpu.memory_space<hbm>> -> memref<128x256xf32, #tpu.memory_space<hbm>>
    tpu.wait_dma2 semaphore(%arg16 : memref<!tpu.dma_semaphore, #tpu.memory_space<semaphore_mem>>) src(%arg14 : memref<128x256xf32, #tpu.memory_space<vmem>>) dst(%dma_wait3A_140 : memref<128x256xf32, #tpu.memory_space<hbm>>)
    return
  }
}

module attributes {stable_mosaic.version = 14 : i64} {
  func.func @_select_body(%arg0: memref<8x19264xf32, #tpu.memory_space<vmem>>, %arg1: memref<8x384xi32, #tpu.memory_space<vmem>>) attributes {dimension_semantics = [], scalar_prefetch = 0 : i64, scratch_operands = 0 : i64, tpu.core_type = #tpu.core_type<tc>} {
    %get3A = arith.constant 0 : index
    %get3A_0 = arith.constant 0 : index
    %get3A_1 = vector.load %arg0[%get3A, %get3A_0] : memref<8x19264xf32, #tpu.memory_space<vmem>>, vector<8x19264xf32>
    %bitcast_convert_type3A = tpu.bitcast %get3A_1 : vector<8x19264xf32> -> vector<8x19264xi32>
    %gt3A = arith.constant 0.000000e+00 : f32
    %gt3A_2 = vector.broadcast %gt3A : f32 to vector<8x19264xf32>
    %gt3A_3 = arith.cmpf ogt, %get3A_1, %gt3A_2 : vector<8x19264xf32>
    %jit3A = arith.constant 0 : i32
    %broadcast_in_dim3A = vector.broadcast %jit3A : i32 to vector<8x19264xi32>
    %select_n3A = arith.select %gt3A_3, %bitcast_convert_type3A, %broadcast_in_dim3A : vector<8x19264xi1>, vector<8x19264xi32>
    %gt3A_4 = arith.constant 0 : i32
    %gt3A_5 = vector.broadcast %gt3A_4 : i32 to vector<8x19264xi32>
    %gt3A_6 = arith.cmpi sgt, %select_n3A, %gt3A_5 : vector<8x19264xi32>
    %convert_element_type3A = arith.extui %gt3A_6 : vector<8x19264xi1> to vector<8x19264xi32>
    %reduce_sum3A = arith.constant dense<0> : vector<8xi32>
    %reduce_sum3A_7 = vector.multi_reduction <add>, %convert_element_type3A, %reduce_sum3A [1] : vector<8x19264xi32> to vector<8xi32>
    %broadcast_in_dim3A_8 = vector.shape_cast %reduce_sum3A_7 : vector<8xi32> to vector<8x1xi32>
    %min3A = arith.constant 2048 : i32
    %min3A_9 = vector.broadcast %min3A : i32 to vector<8x1xi32>
    %min3A_10 = arith.minsi %broadcast_in_dim3A_8, %min3A_9 : vector<8x1xi32>
    %broadcast_in_dim3A_11 = arith.constant 1 : i32
    %broadcast_in_dim3A_12 = vector.broadcast %broadcast_in_dim3A_11 : i32 to vector<8x1xi32>
    %broadcast_in_dim3A_13 = arith.constant 2147483647 : i32
    %broadcast_in_dim3A_14 = vector.broadcast %broadcast_in_dim3A_13 : i32 to vector<8x1xi32>
    %scan3A = arith.constant 0 : i32
    %scan3A_15 = arith.constant 31 : i32
    %scan3A_16 = arith.addi %scan3A, %scan3A_15 : i32
    %scan3A_17 = arith.constant 1 : i32
    %scan3A_18:2 = scf.for %scan3A_55 = %scan3A to %scan3A_16 step %scan3A_17 iter_args(%scan3A_56 = %broadcast_in_dim3A_12, %scan3A_57 = %broadcast_in_dim3A_14) -> (vector<8x1xi32>, vector<8x1xi32>)  : i32 {
      %sub3A_58 = arith.subi %scan3A_57, %scan3A_56 : vector<8x1xi32>
      %jit3A_59 = arith.constant 2 : i32
      %div3A = vector.broadcast %jit3A_59 : i32 to vector<8x1xi32>
      %div3A_60 = arith.divsi %sub3A_58, %div3A : vector<8x1xi32>
      %sign3A = arith.constant 0 : i32
      %sign3A_61 = vector.broadcast %sign3A : i32 to vector<8x1xi32>
      %sign3A_62 = arith.cmpi sgt, %sub3A_58, %sign3A_61 : vector<8x1xi32>
      %sign3A_63 = arith.extui %sign3A_62 : vector<8x1xi1> to vector<8x1xi32>
      %sign3A_64 = arith.constant 0 : i32
      %sign3A_65 = vector.broadcast %sign3A_64 : i32 to vector<8x1xi32>
      %sign3A_66 = arith.cmpi slt, %sub3A_58, %sign3A_65 : vector<8x1xi32>
      %sign3A_67 = arith.extui %sign3A_66 : vector<8x1xi1> to vector<8x1xi32>
      %sign3A_68 = arith.subi %sign3A_63, %sign3A_67 : vector<8x1xi32>
      %sign3A_69 = arith.constant 0 : i32
      %sign3A_70 = arith.cmpi sgt, %jit3A_59, %sign3A_69 : i32
      %sign3A_71 = arith.extui %sign3A_70 : i1 to i32
      %sign3A_72 = arith.constant 0 : i32
      %sign3A_73 = arith.cmpi slt, %jit3A_59, %sign3A_72 : i32
      %sign3A_74 = arith.extui %sign3A_73 : i1 to i32
      %sign3A_75 = arith.subi %sign3A_71, %sign3A_74 : i32
      %ne3A = vector.broadcast %sign3A_75 : i32 to vector<8x1xi32>
      %ne3A_76 = arith.cmpi ne, %sign3A_68, %ne3A : vector<8x1xi32>
      %rem3A = vector.broadcast %jit3A_59 : i32 to vector<8x1xi32>
      %rem3A_77 = arith.remsi %sub3A_58, %rem3A : vector<8x1xi32>
      %ne3A_78 = arith.constant 0 : i32
      %ne3A_79 = vector.broadcast %ne3A_78 : i32 to vector<8x1xi32>
      %ne3A_80 = arith.cmpi ne, %rem3A_77, %ne3A_79 : vector<8x1xi32>
      %and3A = arith.andi %ne3A_76, %ne3A_80 : vector<8x1xi1>
      %sub3A_81 = arith.constant 1 : i32
      %sub3A_82 = vector.broadcast %sub3A_81 : i32 to vector<8x1xi32>
      %sub3A_83 = arith.subi %div3A_60, %sub3A_82 : vector<8x1xi32>
      %select_n3A_84 = arith.select %and3A, %sub3A_83, %div3A_60 : vector<8x1xi1>, vector<8x1xi32>
      %add3A = arith.addi %scan3A_56, %select_n3A_84 : vector<8x1xi32>
      %ge3A = vector.broadcast %add3A : vector<8x1xi32> to vector<8x19264xi32>
      %ge3A_85 = arith.cmpi sge, %select_n3A, %ge3A : vector<8x19264xi32>
      %convert_element_type3A_86 = arith.extui %ge3A_85 : vector<8x19264xi1> to vector<8x19264xi32>
      %reduce_sum3A_87 = arith.constant dense<0> : vector<8xi32>
      %reduce_sum3A_88 = vector.multi_reduction <add>, %convert_element_type3A_86, %reduce_sum3A_87 [1] : vector<8x19264xi32> to vector<8xi32>
      %broadcast_in_dim3A_89 = vector.shape_cast %reduce_sum3A_88 : vector<8xi32> to vector<8x1xi32>
      %ge3A_90 = arith.cmpi sge, %broadcast_in_dim3A_89, %min3A_10 : vector<8x1xi32>
      %select_n3A_91 = arith.select %ge3A_90, %add3A, %scan3A_56 : vector<8x1xi1>, vector<8x1xi32>
      %select_n3A_92 = arith.select %ge3A_90, %scan3A_57, %add3A : vector<8x1xi1>, vector<8x1xi32>
      scf.yield %select_n3A_91, %select_n3A_92 : vector<8x1xi32>, vector<8x1xi32>
    }
    %gt3A_19 = vector.broadcast %scan3A_18#0 : vector<8x1xi32> to vector<8x19264xi32>
    %gt3A_20 = arith.cmpi sgt, %select_n3A, %gt3A_19 : vector<8x19264xi32>
    %convert_element_type3A_21 = arith.extui %gt3A_20 : vector<8x19264xi1> to vector<8x19264xi32>
    %reduce_sum3A_22 = arith.constant dense<0> : vector<8xi32>
    %reduce_sum3A_23 = vector.multi_reduction <add>, %convert_element_type3A_21, %reduce_sum3A_22 [1] : vector<8x19264xi32> to vector<8xi32>
    %broadcast_in_dim3A_24 = vector.shape_cast %reduce_sum3A_23 : vector<8xi32> to vector<8x1xi32>
    %sub3A = arith.subi %min3A_10, %broadcast_in_dim3A_24 : vector<8x1xi32>
    %eq3A = vector.broadcast %scan3A_18#0 : vector<8x1xi32> to vector<8x19264xi32>
    %eq3A_25 = arith.cmpi eq, %select_n3A, %eq3A : vector<8x19264xi32>
    %iota3A = tpu.iota {dimensions = array<i32: 1>} : vector<8x19264xi32>
    %broadcast_in_dim3A_26 = arith.constant -1 : i32
    %broadcast_in_dim3A_27 = vector.broadcast %broadcast_in_dim3A_26 : i32 to vector<8x1xi32>
    %broadcast_in_dim3A_28 = arith.constant 19263 : i32
    %broadcast_in_dim3A_29 = vector.broadcast %broadcast_in_dim3A_28 : i32 to vector<8x1xi32>
    %scan3A_30 = arith.constant 0 : i32
    %scan3A_31 = arith.constant 15 : i32
    %scan3A_32 = arith.addi %scan3A_30, %scan3A_31 : i32
    %scan3A_33 = arith.constant 1 : i32
    %scan3A_34:2 = scf.for %scan3A_55 = %scan3A_30 to %scan3A_32 step %scan3A_33 iter_args(%scan3A_56 = %broadcast_in_dim3A_27, %scan3A_57 = %broadcast_in_dim3A_29) -> (vector<8x1xi32>, vector<8x1xi32>)  : i32 {
      %sub3A_58 = arith.subi %scan3A_57, %scan3A_56 : vector<8x1xi32>
      %jit3A_59 = arith.constant 2 : i32
      %div3A = vector.broadcast %jit3A_59 : i32 to vector<8x1xi32>
      %div3A_60 = arith.divsi %sub3A_58, %div3A : vector<8x1xi32>
      %sign3A = arith.constant 0 : i32
      %sign3A_61 = vector.broadcast %sign3A : i32 to vector<8x1xi32>
      %sign3A_62 = arith.cmpi sgt, %sub3A_58, %sign3A_61 : vector<8x1xi32>
      %sign3A_63 = arith.extui %sign3A_62 : vector<8x1xi1> to vector<8x1xi32>
      %sign3A_64 = arith.constant 0 : i32
      %sign3A_65 = vector.broadcast %sign3A_64 : i32 to vector<8x1xi32>
      %sign3A_66 = arith.cmpi slt, %sub3A_58, %sign3A_65 : vector<8x1xi32>
      %sign3A_67 = arith.extui %sign3A_66 : vector<8x1xi1> to vector<8x1xi32>
      %sign3A_68 = arith.subi %sign3A_63, %sign3A_67 : vector<8x1xi32>
      %sign3A_69 = arith.constant 0 : i32
      %sign3A_70 = arith.cmpi sgt, %jit3A_59, %sign3A_69 : i32
      %sign3A_71 = arith.extui %sign3A_70 : i1 to i32
      %sign3A_72 = arith.constant 0 : i32
      %sign3A_73 = arith.cmpi slt, %jit3A_59, %sign3A_72 : i32
      %sign3A_74 = arith.extui %sign3A_73 : i1 to i32
      %sign3A_75 = arith.subi %sign3A_71, %sign3A_74 : i32
      %ne3A = vector.broadcast %sign3A_75 : i32 to vector<8x1xi32>
      %ne3A_76 = arith.cmpi ne, %sign3A_68, %ne3A : vector<8x1xi32>
      %rem3A = vector.broadcast %jit3A_59 : i32 to vector<8x1xi32>
      %rem3A_77 = arith.remsi %sub3A_58, %rem3A : vector<8x1xi32>
      %ne3A_78 = arith.constant 0 : i32
      %ne3A_79 = vector.broadcast %ne3A_78 : i32 to vector<8x1xi32>
      %ne3A_80 = arith.cmpi ne, %rem3A_77, %ne3A_79 : vector<8x1xi32>
      %and3A = arith.andi %ne3A_76, %ne3A_80 : vector<8x1xi1>
      %sub3A_81 = arith.constant 1 : i32
      %sub3A_82 = vector.broadcast %sub3A_81 : i32 to vector<8x1xi32>
      %sub3A_83 = arith.subi %div3A_60, %sub3A_82 : vector<8x1xi32>
      %select_n3A_84 = arith.select %and3A, %sub3A_83, %div3A_60 : vector<8x1xi1>, vector<8x1xi32>
      %add3A = arith.addi %scan3A_56, %select_n3A_84 : vector<8x1xi32>
      %le3A = vector.broadcast %add3A : vector<8x1xi32> to vector<8x19264xi32>
      %le3A_85 = arith.cmpi sle, %iota3A, %le3A : vector<8x19264xi32>
      %and3A_86 = arith.andi %eq3A_25, %le3A_85 : vector<8x19264xi1>
      %convert_element_type3A_87 = arith.extui %and3A_86 : vector<8x19264xi1> to vector<8x19264xi32>
      %reduce_sum3A_88 = arith.constant dense<0> : vector<8xi32>
      %reduce_sum3A_89 = vector.multi_reduction <add>, %convert_element_type3A_87, %reduce_sum3A_88 [1] : vector<8x19264xi32> to vector<8xi32>
      %broadcast_in_dim3A_90 = vector.shape_cast %reduce_sum3A_89 : vector<8xi32> to vector<8x1xi32>
      %ge3A = arith.cmpi sge, %broadcast_in_dim3A_90, %sub3A : vector<8x1xi32>
      %select_n3A_91 = arith.select %ge3A, %scan3A_56, %add3A : vector<8x1xi1>, vector<8x1xi32>
      %select_n3A_92 = arith.select %ge3A, %add3A, %scan3A_57 : vector<8x1xi1>, vector<8x1xi32>
      scf.yield %select_n3A_91, %select_n3A_92 : vector<8x1xi32>, vector<8x1xi32>
    }
    %gt3A_35 = arith.constant 0 : i32
    %gt3A_36 = vector.broadcast %gt3A_35 : i32 to vector<8x1xi32>
    %gt3A_37 = arith.cmpi sgt, %sub3A, %gt3A_36 : vector<8x1xi32>
    %jit3A_38 = arith.constant -1 : i32
    %broadcast_in_dim3A_39 = vector.broadcast %jit3A_38 : i32 to vector<8x1xi32>
    %select_n3A_40 = arith.select %gt3A_37, %scan3A_34#1, %broadcast_in_dim3A_39 : vector<8x1xi1>, vector<8x1xi32>
    %broadcast_in_dim3A_41 = vector.shape_cast %scan3A_18#0 : vector<8x1xi32> to vector<8x1xi32>
    %broadcast_in_dim3A_42 = vector.broadcast %broadcast_in_dim3A_41 : vector<8x1xi32> to vector<8x128xi32>
    %swap3A = arith.constant 0 : index
    %swap3A_43 = arith.constant 0 : index
    %swap3A_44 = vector.load %arg1[%swap3A, %swap3A_43] : memref<8x384xi32, #tpu.memory_space<vmem>>, vector<8x128xi32>
    tpu.vector_store %arg1[%swap3A, %swap3A_43], %broadcast_in_dim3A_42 {strides = array<i32>} : memref<8x384xi32, #tpu.memory_space<vmem>>, vector<8x128xi32>,
    %broadcast_in_dim3A_45 = vector.shape_cast %select_n3A_40 : vector<8x1xi32> to vector<8x1xi32>
    %broadcast_in_dim3A_46 = vector.broadcast %broadcast_in_dim3A_45 : vector<8x1xi32> to vector<8x128xi32>
    %swap3A_47 = arith.constant 0 : index
    %swap3A_48 = arith.constant 128 : index
    %swap3A_49 = vector.load %arg1[%swap3A_47, %swap3A_48] : memref<8x384xi32, #tpu.memory_space<vmem>>, vector<8x128xi32>
    tpu.vector_store %arg1[%swap3A_47, %swap3A_48], %broadcast_in_dim3A_46 {strides = array<i32>} : memref<8x384xi32, #tpu.memory_space<vmem>>, vector<8x128xi32>,
    %broadcast_in_dim3A_50 = vector.shape_cast %min3A_10 : vector<8x1xi32> to vector<8x1xi32>
    %broadcast_in_dim3A_51 = vector.broadcast %broadcast_in_dim3A_50 : vector<8x1xi32> to vector<8x128xi32>
    %swap3A_52 = arith.constant 0 : index
    %swap3A_53 = arith.constant 256 : index
    %swap3A_54 = vector.load %arg1[%swap3A_52, %swap3A_53] : memref<8x384xi32, #tpu.memory_space<vmem>>, vector<8x128xi32>
    tpu.vector_store %arg1[%swap3A_52, %swap3A_53], %broadcast_in_dim3A_51 {strides = array<i32>} : memref<8x384xi32, #tpu.memory_space<vmem>>, vector<8x128xi32>,
    return
  }
}

module attributes {stable_mosaic.version = 14 : i64} {
  func.func @_mlp_body(%arg0: i32, %arg1: memref<8xi32, #tpu.memory_space<smem>>, %arg2: memref<1x2048x256xf32, #tpu.memory_space<vmem>>, %arg3: memref<1x1x2048xf32, #tpu.memory_space<vmem>>, %arg4: memref<256x1xf32, #tpu.memory_space<vmem>>, %arg5: memref<256x1xf32, #tpu.memory_space<vmem>>, %arg6: memref<256x256xf32, #tpu.memory_space<vmem>>, %arg7: memref<1x256xf32, #tpu.memory_space<vmem>>, %arg8: memref<1x256xf32, #tpu.memory_space<vmem>>, %arg9: memref<1x2049x256xf32, #tpu.memory_space<vmem>>) attributes {dimension_semantics = [#tpu.dimension_semantics<arbitrary>], iteration_bounds = array<i64: 8>, scalar_prefetch = 0 : i64, scratch_operands = 0 : i64, tpu.core_type = #tpu.core_type<tc>, window_params = [{transform_indices = @transform_0, window_bounds = array<i64: 8>}, {transform_indices = @transform_1, window_bounds = array<i64: 1, 2048, 256>}, {transform_indices = @transform_2, window_bounds = array<i64: 1, 1, 2048>}, {pipeline_mode = #tpu.pipeline_mode<synchronous>, transform_indices = @transform_3, window_bounds = array<i64: 256, 1>}, {pipeline_mode = #tpu.pipeline_mode<synchronous>, transform_indices = @transform_4, window_bounds = array<i64: 256, 1>}, {pipeline_mode = #tpu.pipeline_mode<synchronous>, transform_indices = @transform_5, window_bounds = array<i64: 256, 256>}, {pipeline_mode = #tpu.pipeline_mode<synchronous>, transform_indices = @transform_6, window_bounds = array<i64: 1, 256>}, {pipeline_mode = #tpu.pipeline_mode<synchronous>, transform_indices = @transform_7, window_bounds = array<i64: 1, 256>}, {transform_indices = @transform_8, window_bounds = array<i64: 1, 2049, 256>}]} {
    %get3A = arith.constant 0 : index
    %get3A_0 = arith.constant 0 : index
    %get3A_1 = arith.constant 0 : index
    %get3A_2 = vector.load %arg3[%get3A, %get3A_0, %get3A_1] : memref<1x1x2048xf32, #tpu.memory_space<vmem>>, vector<1x1x2048xf32>
    %get3A_3 = vector.shape_cast %get3A_2 : vector<1x1x2048xf32> to vector<1x2048xf32>
    %get3A_4 = arith.constant 0 : index
    %get3A_5 = arith.constant 0 : index
    %get3A_6 = vector.load %arg4[%get3A_4, %get3A_5] : memref<256x1xf32, #tpu.memory_space<vmem>>, vector<256x1xf32>
    %mul3A = vector.broadcast %get3A_6 : vector<256x1xf32> to vector<256x2048xf32>
    %mul3A_7 = vector.broadcast %get3A_3 : vector<1x2048xf32> to vector<256x2048xf32>
    %mul3A_8 = arith.mulf %mul3A, %mul3A_7 : vector<256x2048xf32>
    %get3A_9 = arith.constant 0 : index
    %get3A_10 = arith.constant 0 : index
    %get3A_11 = vector.load %arg5[%get3A_9, %get3A_10] : memref<256x1xf32, #tpu.memory_space<vmem>>, vector<256x1xf32>
    %add3A = vector.broadcast %get3A_11 : vector<256x1xf32> to vector<256x2048xf32>
    %add3A_12 = arith.addf %mul3A_8, %add3A : vector<256x2048xf32>
    %mul3A_13 = arith.constant 5.000000e-01 : f32
    %mul3A_14 = vector.broadcast %mul3A_13 : f32 to vector<256x2048xf32>
    %mul3A_15 = arith.mulf %mul3A_14, %add3A_12 : vector<256x2048xf32>
    %mul3A_16 = arith.constant 0.707106769 : f32
    %mul3A_17 = vector.broadcast %mul3A_16 : f32 to vector<256x2048xf32>
    %mul3A_18 = arith.mulf %add3A_12, %mul3A_17 : vector<256x2048xf32>
    %erf3A = math.erf %mul3A_18 : vector<256x2048xf32>
    %add3A_19 = arith.constant 1.000000e+00 : f32
    %add3A_20 = vector.broadcast %add3A_19 : f32 to vector<256x2048xf32>
    %add3A_21 = arith.addf %add3A_20, %erf3A : vector<256x2048xf32>
    %mul3A_22 = arith.mulf %mul3A_15, %add3A_21 : vector<256x2048xf32>
    %get3A_23 = arith.constant 0 : index
    %get3A_24 = arith.constant 0 : index
    %get3A_25 = vector.load %arg6[%get3A_23, %get3A_24] : memref<256x256xf32, #tpu.memory_space<vmem>>, vector<256x256xf32>
    %dot_general3A = arith.constant dense<0.000000e+00> : vector<2048x256xf32>
    %dot_general3A_26 = tpu.matmul %mul3A_22, %get3A_25, %dot_general3A {dimension_numbers = #tpu.dot_dimension_numbers<[0], [0], [1], [1], [0, 1, 1, 1], [], []>, transpose_lhs_hint = false} : vector<256x2048xf32>, vector<256x256xf32>, vector<2048x256xf32> -> vector<2048x256xf32>
    %get3A_27 = arith.constant 0 : index
    %get3A_28 = arith.constant 0 : index
    %get3A_29 = arith.constant 0 : index
    %get3A_30 = vector.load %arg2[%get3A_27, %get3A_28, %get3A_29] : memref<1x2048x256xf32, #tpu.memory_space<vmem>>, vector<1x2048x256xf32>
    %get3A_31 = vector.shape_cast %get3A_30 : vector<1x2048x256xf32> to vector<2048x256xf32>
    %add3A_32 = arith.addf %get3A_31, %dot_general3A_26 : vector<2048x256xf32>
    %get3A_33 = arith.constant 0 : index
    %get3A_34 = arith.constant 0 : index
    %get3A_35 = vector.load %arg7[%get3A_33, %get3A_34] : memref<1x256xf32, #tpu.memory_space<vmem>>, vector<1x256xf32>
    %add3A_36 = vector.broadcast %get3A_35 : vector<1x256xf32> to vector<2048x256xf32>
    %add3A_37 = arith.addf %add3A_32, %add3A_36 : vector<2048x256xf32>
    %get3A_38 = arith.index_cast %arg0 : i32 to index
    %get3A_39 = memref.load %arg1[%get3A_38] : memref<8xi32, #tpu.memory_space<smem>>
    %iota3A = tpu.iota {dimensions = array<i32: 0>} : vector<2048x1xi32>
    %lt3A = vector.broadcast %get3A_39 : i32 to vector<2048x1xi32>
    %lt3A_40 = arith.cmpi slt, %iota3A, %lt3A : vector<2048x1xi32>
    %jit3A = arith.constant 0.000000e+00 : f32
    %broadcast_in_dim3A = vector.shape_cast %lt3A_40 : vector<2048x1xi1> to vector<2048x1xi1>
    %broadcast_in_dim3A_41 = vector.broadcast %broadcast_in_dim3A : vector<2048x1xi1> to vector<2048x256xi1>
    %broadcast_in_dim3A_42 = vector.broadcast %jit3A : f32 to vector<2048x256xf32>
    %select_n3A = arith.select %broadcast_in_dim3A_41, %add3A_37, %broadcast_in_dim3A_42 : vector<2048x256xi1>, vector<2048x256xf32>
    %get3A_43 = arith.constant 0 : index
    %get3A_44 = arith.constant 0 : index
    %get3A_45 = vector.load %arg8[%get3A_43, %get3A_44] : memref<1x256xf32, #tpu.memory_space<vmem>>, vector<1x256xf32>
    %concatenate3A = tpu.concatenate %get3A_45, %select_n3A in 0 : vector<1x256xf32>, vector<2048x256xf32> -> vector<2049x256xf32>
    %swap3A = arith.constant 0 : index
    %swap3A_46 = arith.constant 0 : index
    %swap3A_47 = arith.constant 0 : index
    %swap3A_48 = vector.load %arg9[%swap3A, %swap3A_46, %swap3A_47] : memref<1x2049x256xf32, #tpu.memory_space<vmem>>, vector<1x2049x256xf32>
    %swap3A_49 = vector.shape_cast %swap3A_48 : vector<1x2049x256xf32> to vector<2049x256xf32>
    %swap3A_50 = vector.shape_cast %concatenate3A : vector<2049x256xf32> to vector<1x2049x256xf32>
    tpu.vector_store %arg9[%swap3A, %swap3A_46, %swap3A_47], %swap3A_50 {strides = array<i32>} : memref<1x2049x256xf32, #tpu.memory_space<vmem>>, vector<1x2049x256xf32>,
    return
  }
  func.func @transform_0(%arg0: i32) -> i32 {
    %c0_i32 = arith.constant 0 : i32
    %c0_i32_0 = arith.constant 0 : i32
    return %c0_i32 : i32
  }
  func.func @transform_1(%arg0: i32) -> (i32, i32, i32) {
    %c0_i32 = arith.constant 0 : i32
    %c0_i32_0 = arith.constant 0 : i32
    %c0_i32_1 = arith.constant 0 : i32
    return %arg0, %c0_i32, %c0_i32_0 : i32, i32, i32
  }
  func.func @transform_2(%arg0: i32) -> (i32, i32, i32) {
    %c0_i32 = arith.constant 0 : i32
    %c0_i32_0 = arith.constant 0 : i32
    %c0_i32_1 = arith.constant 0 : i32
    return %arg0, %c0_i32, %c0_i32_0 : i32, i32, i32
  }
  func.func @transform_3(%arg0: i32) -> (i32, i32) {
    %c0_i32 = arith.constant 0 : i32
    %c0_i32_0 = arith.constant 0 : i32
    %c0_i32_1 = arith.constant 0 : i32
    return %c0_i32, %c0_i32_0 : i32, i32
  }
  func.func @transform_4(%arg0: i32) -> (i32, i32) {
    %c0_i32 = arith.constant 0 : i32
    %c0_i32_0 = arith.constant 0 : i32
    %c0_i32_1 = arith.constant 0 : i32
    return %c0_i32, %c0_i32_0 : i32, i32
  }
  func.func @transform_5(%arg0: i32) -> (i32, i32) {
    %c0_i32 = arith.constant 0 : i32
    %c0_i32_0 = arith.constant 0 : i32
    %c0_i32_1 = arith.constant 0 : i32
    return %c0_i32, %c0_i32_0 : i32, i32
  }
  func.func @transform_6(%arg0: i32) -> (i32, i32) {
    %c0_i32 = arith.constant 0 : i32
    %c0_i32_0 = arith.constant 0 : i32
    %c0_i32_1 = arith.constant 0 : i32
    return %c0_i32, %c0_i32_0 : i32, i32
  }
  func.func @transform_7(%arg0: i32) -> (i32, i32) {
    %c0_i32 = arith.constant 0 : i32
    %c0_i32_0 = arith.constant 0 : i32
    %c0_i32_1 = arith.constant 0 : i32
    return %c0_i32, %c0_i32_0 : i32, i32
  }
  func.func @transform_8(%arg0: i32) -> (i32, i32, i32) {
    %c0_i32 = arith.constant 0 : i32
    %c0_i32_0 = arith.constant 0 : i32
    %c0_i32_1 = arith.constant 0 : i32
    return %arg0, %c0_i32, %c0_i32_0 : i32, i32, i32
  }
}

</mosaic_0001>

<sc_bundles>
// kernel: kernel.5.cloned.1.call-start
scs
__scs_entry_jumppad:
0x0: {  	(pc) =	sbr.rel $0x88, $3  }
0x1: {  	(tag) =	ssettag $0x0;
	lr =	simm.s32 $0x1  }
0x2: {  	[smem:$0x3F9A] =	sst lr;
	_ =	strace $0xD0000000  }
0x3: {  	_ = 	snop  }
0x4: {  	_ = 	snop  }
0x5: {  	_ = 	snop  }
0x6: {  	_ = 	snop  }
0x7: {  	_ = 	snop  }
__scs_overlays_trampoline_lowered:
0x8: {  	[smem:$0x3FA9] =	sst s0  }
0x9: {  	[smem:$0x3FAA] =	sst s1  }
0xa: {  	[smem:$0x3FAB] =	sst s2  }
0xb: {  	[smem:$0x3FAC] =	sst s3  }
0xc: {  	[smem:$0x3FAD] =	sst s4  }
0xd: {  	[smem:$0x3FAE] =	sst s5  }
0xe: {  	[smem:$0x3FAF] =	sst s6  }
0xf: {  	[smem:$0x3FB0] =	sst s7  }
0x10: {  	[smem:$0x3FB1] =	sst s8  }
0x11: {  	[smem:$0x3FB2] =	sst s9;
	s0 =	simm.s32 @!p0 $0x0  }
0x12: {  	s1 =	sld [smem:$0x3F98];
	s0 =	simm.s32 @p0 $0x1  }
0x13: {  	[smem:$0x3FB3] =	sst s0;
	s0 =	simm.s32 @!p1 $0x0  }
0x14: {  	s2 =	sld [smem:$0x3F97];
	s0 =	simm.s32 @p1 $0x1  }
0x15: {  	[smem:$0x3FB4] =	sst s0;
	s0 =	simm.s32 @!p2 $0x0  }
0x16: {  	s3 =	sld [smem:$0x3FDB];
	s0 =	simm.s32 @p2 $0x1  }
0x17: {  	s4 =	simm.s32 $0x1BF5;
	[smem:$0x3FB6] =	sst s0  }
0x18: {  	s0 =	sld [smem:$0x3F99];
	_ =	swait.ge [sflag:s4], $0x0  }
0x19: {  	s7 =	sld [smem:$0x3F9A]  }
0x1a: {  	s8 =	sadd.s32 $0xFFFFE003, lr  }
0x1b: {  	s9 =	sadd.s32 $0xFFFFFEF7, lr;
	s5 =	simm.s32 $0xFFFFFFFF;
	p2 =	slt.u32 s8, $0xFFFFF086  }
0x1c: {  	p1 =	slt.u32 s9, $0xF7A;
	s5 =	simm.s32 @!p2 $0x0  }
0x1d: {  	s5 =	simm.s32 @p1 $0x1;
	p0 =	seq.s32 s7, s2  }
0x1e: {  	s7 =	smul.u32 @!p0 $0xF7A, s2;
	p2 =	seq.s32 @!p0 s5, $0x0  }
0x1f: {  	s9 =	smul.u32 $0xF7A, s1;
	s8 =	simm.s32 @!p0 $0x1BF5;
	p2 =	por !p2, p0  }
0x20: {  	[sflag:s8] =	ssyncset.s32 @!p0 $0xFFFFF086;
	s6 =	sadd.s32 @!p0 s3, s7;
	s7 =	simm.s32 @!p0 $0x108  }
0x21: {  	s3 =	sadd.s32 s3, s9;
	s6 =	sadd.s32 @!p0 $0x88, s6;
	s7 =	simm.s32 @p2 $0x1082  }
0x22: {  	[simem:s7], [sflag:s8] =	dma.local @!p0 [hbm:s6], $0xF7A  }
0x23: {  	s9 =	sor.u32 $0xD0000000, s2;
	s6 =	simm.s32 $0x108;
	_ =	swait.ge @!p0 [sflag:s8], $0x0  }
0x24: {  	s3 =	sadd.s32 $0x88, s3;
	s6 =	simm.s32 @!p1 $0x1082;
	[sflag:s4] =	ssyncset.s32 $0xFFFFF086  }
0x25: {  	[simem:s6], [sflag:s4] =	dma.local [hbm:s3], $0xF7A  }
0x26: {  	[smem:$0x3F9A] =	sst s1;
	(tag) =	ssettag s2;
	_ =	strace s9  }
0x27: {  	s1 =	sld [smem:$0x3FAA]  }
0x28: {  	s2 =	sld [smem:$0x3FAB]  }
0x29: {  	s4 =	sld [smem:$0x3FAD]  }
0x2a: {  	p0 =	seq.s32 s5, $0x0;
	s5 =	sld [smem:$0x3FAE]  }
0x2b: {  	s6 =	sld [smem:$0x3FAF]  }
0x2c: {  	s7 =	sld [smem:$0x3FB0]  }
0x2d: {  	s3 =	simm.s32 $0x108;
	s8 =	sld [smem:$0x3FB1]  }
0x2e: {  	s3 =	simm.s32 @!p0 $0x1082;
	s9 =	sld [smem:$0x3FB2]  }
0x2f: {  	lr =	sadd.s32 s0, s3;
	s0 =	sld [smem:$0x3FA9]  }
0x30: {  	s3 =	sld [smem:$0x3FAC]  }
0x31: {  	[smem:$0x3FB5] =	sst s10  }
0x32: {  	s10 =	sld [smem:$0x3FB3];
	_ =	sdelay $0x3  }
0x33: {  	p0 =	seq.s32 s10, $0x1;
	s10 =	sld [smem:$0x3FB5];
	_ =	sdelay $0x3  }
0x34: {  	[smem:$0x3FB5] =	sst s10  }
0x35: {  	s10 =	sld [smem:$0x3FB4];
	_ =	sdelay $0x3  }
0x36: {  	p1 =	seq.s32 s10, $0x1;
	s10 =	sld [smem:$0x3FB5];
	_ =	sdelay $0x3  }
0x37: {  	[smem:$0x3FB5] =	sst s10  }
0x38: {  	s10 =	sld [smem:$0x3FB6]  }
0x39: {  	_ = 	snop;
	(pc) =	sbr.ind lr, $3  }
0x3a: {  	_ = 	snop  }
0x3b: {  	_ = 	snop  }
0x3c: {  	p2 =	seq.s32 s10, $0x1;
	s10 =	sld [smem:$0x3FB5]  }
0x3d: {  	_ =	shalt  }
0x3e: {  	_ =	shalt  }
0x3f: {  	_ =	shalt  }
0x40: {  	_ =	shalt  }
0x41: {  	_ =	shalt  }
0x42: {  	_ =	shalt  }
0x43: {  	_ =	shalt  }
0x44: {  	_ =	shalt  }
0x45: {  	_ =	shalt  }
0x46: {  	_ =	shalt  }
0x47: {  	_ =	shalt  }
0x48: {  	_ =	shalt  }
0x49: {  	_ =	shalt  }
0x4a: {  	_ =	shalt  }
0x4b: {  	_ =	shalt  }
0x4c: {  	_ =	shalt  }
0x4d: {  	_ =	shalt  }
0x4e: {  	_ =	shalt  }
0x4f: {  	_ =	shalt  }
0x50: {  	_ =	shalt  }
0x51: {  	_ =	shalt  }
0x52: {  	_ =	shalt  }
0x53: {  	_ =	shalt  }
0x54: {  	_ =	shalt  }
0x55: {  	_ =	shalt  }
0x56: {  	_ =	shalt  }
0x57: {  	_ =	shalt  }
0x58: {  	_ =	shalt  }
0x59: {  	_ =	shalt  }
0x5a: {  	_ =	shalt  }
0x5b: {  	_ =	shalt  }
0x5c: {  	_ =	shalt  }
0x5d: {  	_ =	shalt  }
0x5e: {  	_ =	shalt  }
0x5f: {  	_ =	shalt  }
0x60: {  	_ =	shalt  }
0x61: {  	_ =	shalt  }
0x62: {  	_ =	shalt  }
0x63: {  	_ =	shalt  }
0x64: {  	_ =	shalt  }
0x65: {  	_ =	shalt  }
0x66: {  	_ =	shalt  }
0x67: {  	_ =	shalt  }
0x68: {  	_ =	shalt  }
0x69: {  	_ =	shalt  }
0x6a: {  	_ =	shalt  }
0x6b: {  	_ =	shalt  }
0x6c: {  	_ =	shalt  }
0x6d: {  	_ =	shalt  }
0x6e: {  	_ =	shalt  }
0x6f: {  	_ =	shalt  }
0x70: {  	_ =	shalt  }
0x71: {  	_ =	shalt  }
0x72: {  	_ =	shalt  }
0x73: {  	_ =	shalt  }
0x74: {  	_ =	shalt  }
0x75: {  	_ =	shalt  }
0x76: {  	_ =	shalt  }
0x77: {  	_ =	shalt  }
0x78: {  	_ =	shalt  }
0x79: {  	_ =	shalt  }
0x7a: {  	_ =	shalt  }
0x7b: {  	_ =	shalt  }
0x7c: {  	_ =	shalt  }
0x7d: {  	_ =	shalt  }
0x7e: {  	_ =	shalt  }
0x7f: {  	_ =	shalt  }
0x80: {  	_ =	shalt  }
0x81: {  	_ =	shalt  }
0x82: {  	_ =	shalt  }
0x83: {  	_ =	shalt  }
0x84: {  	_ =	shalt  }
0x85: {  	_ =	shalt  }
0x86: {  	_ =	shalt  }
0x87: {  	_ =	shalt  }
.Lfunc_end0:
.L_simem_size_0:
called_computation_lowered:
.L_overlay_start_0:
0x88: {  	s2 =	sld [smem:$0x3FD9]  }
0x89: {  	s3 =	sld [smem:$0x3FFE];
	_ =	sdelay $0x1  }
0x8a: {  	s1 =	srdreg.scid  }
0x8b: {  	s0 =	sand.u32 $0x1, s1  }
0x8c: {  	s14 =	sshll.u32 s0, $0xA;
	s2 =	sadd.s32 s3, s2  }
0x8d: {  	s2 =	sadd.s32 s2, s14  }
0x8e: {  	[smem:$0x3FC1] =	sst s2  }
0x8f: {  	_ = 	snop  }
0x90: {  	s2 =	sld [smem:$0x3FD0];
	_ =	sdelay $0x1  }
0x91: {  	s15 =	sld [smem:$0x3FC9]  }
0x92: {  	s5 =	simm.s32 $0xA;
	s6 =	simm.s32 $0x10;
	s4 =	sld [smem:$0x3FC8]  }
0x93: {  	[smem:s6], [sflag:s5] =	dma.local [hbm:s2], $0x1  }
0x94: {  	_ =	swait.eq [sflag:s5], $0x1  }
0x95: {  	[sflag:s5] =	ssyncset.done $0x0  }
0x96: {  	[sflag:s5] =	ssyncadd.s32 $0xFFFFFFFF  }
0x97: {  	s16 =	sld [smem:$0x10];
	(tm) =	ssettm $0x1  }
0x98: {  	s17 =	sld [smem:$0x3FFB];
	_ =	sdelay $0x3  }
0x99: {  	_ =	strace s17  }
0x9a: {  	s5 =	sld [smem:$0x3FFC];
	_ =	sdelay $0x3  }
0x9b: {  	_ =	strace s5  }
0x9c: {  	s5 =	sld [smem:$0x3FFD];
	_ =	sdelay $0x3  }
0x9d: {  	_ =	strace s5  }
0x9e: {  	_ =	strace $0x8FFFFFFF  }
0x9f: {  	s18 =	sld [smem:$0x3FDB];
	_ =	sdelay $0x1  }
0xa0: {  	s19 =	simm.s32 $_scs_section_size  }
0xa1: {  	s7 =	simm.s32 $_size__tile_overlayer_lowered;
	s8 =	simm.s32 $_tile_overlayer_lowered  }
0xa2: {  	s22 =	simm.s32 $0x1BFF;
	s21 =	sshll.u32 s8, $0x1;
	s5 =	sadd.s32 s19, s18  }
0xa3: {  	s9 =	simm.s32 $0x0;
	s20 =	sshll.u32 s7, $0x1;
	s7 =	sadd.s32 s21, s5  }
0xa4: {  	[timem:s9], [sflag:s22] =	dma.local [hbm:s7], s20  }
0xa5: {  	_ =	swait.ge [sflag:s22], s20  }
0xa6: {  	s6 =	ssub.s32 $0x0, s20;
	[sflag:s22] =	ssyncset.done $0x0  }
0xa7: {  	[sflag:s22] =	ssyncadd.s32 s6;
	_ =	sdelay $0x1  }
0xa8: {  	s23 =	simm.s32 $0x1B8B  }
0xa9: {  	_ =	swait.ge [sflag:s23], $0x1  }
0xaa: {  	[sflag:s23] =	ssyncset.done $0x0  }
0xab: {  	s25 =	simm.s32 $0x1B8E;
	s24 =	sld [smem:$0x3FFE];
	[sflag:s23] =	ssyncadd.s32 $0xFFFFFFFF  }
0xac: {  	s26 =	simm.s32 $execute0_lowered;
	[smem:$0x3FD2] =	sst s25  }
0xad: {  	s7 =	sshll.u32 s26, $0x1;
	_ =	strace $0x80000046;
	[dreg:$0x1] =	wrdreg $0xFFFFFFFF  }
0xae: {  	s28 =	simm.s32 $_size_execute0_lowered;
	s5 =	sadd.s32 s5, s7;
	[dreg:$0x0] =	wrdreg $0x0  }
0xaf: {  	s7 =	sshll.u32 s28, $0x1;
	[dreg:$0x2] =	wrdreg s5  }
0xb0: {  	[dreg:$0x3] =	wrdreg s7  }
0xb1: {  	[dreg:$0x4] =	wrdreg $0xC0  }
0xb2: {  	_ =	task [dreg:s9], $0x5FFFF  }
0xb3: {  	[dreg:$0x1] =	wrdreg $0xFFFFFFFF  }
0xb4: {  	[dreg:$0x0] =	wrdreg $0x60  }
0xb5: {  	[dreg:$0x2] =	wrdreg s15  }
0xb6: {  	[dreg:$0x3] =	wrdreg s24  }
0xb7: {  	[dreg:$0x4] =	wrdreg s4  }
0xb8: {  	[dreg:$0x5] =	wrdreg s16  }
0xb9: {  	[dreg:$0x6] =	wrdreg $0x9  }
0xba: {  	_ =	task.clear_ibuf [dreg:s9], $0x7FFFF;
	_ =	strace $0x90000046  }
0xbb: {  	s29 =	simm.s32 $0x9;
	_ =	strace $0x80000048  }
0xbc: {  	_ =	swait.ge [sflag:s29], $0x1  }
0xbd: {  	[sflag:s29] =	ssyncadd.s32 $0xFFFFFFFF  }
0xbe: {  	_ =	strace $0x90000048  }
0xbf: {  	_ =	sfence  }
0xc0: {  	s30 =	sld [smem:$0x0];
	_ =	sdelay $0x2  }
0xc1: {  	s31 =	sshll.u32 s1, $0xD;
	s1 =	sshrl.u32 s1, $0x2  }
0xc2: {  	s3 =	sand.u32 $0x4000, s31;
	s1 =	sadd.s32 s1, s30  }
0xc3: {  	s0 =	sor.u32 s3, s0;
	s1 =	sshll.u32 s1, $0x11  }
0xc4: {  	s0 =	sor.u32 s1, s0  }
0xc5: {  	s0 =	sadd.s32 $0x8F2B, s0  }
0xc6: {  	[sflag:s0] =	ssyncadd.remote.s32 $0x1  }
0xc7: {  	_ =	sfence.sel $0xFFFF  }
0xc8: {  	[dreg:$0x0] =	wrdreg $0xFFFFFFFF;
	(pc) =	sbr.abs _section_cstart, $3  }
0xc9: {  	[dreg:$0x1] =	wrdreg $0xFFFFFFFF  }
0xca: {  	_ =	task.clear_ibuf [dreg:s9], $0x2FFFF;
	_ =	strace $0x9FFFFFFF  }
0xcb: {  	(tm) =	ssettm $0x7FFFFFFF  }
tec
execute0_lowered:
.L_overlay_start_1:
0x0: {  	(tag) =	ssettag $0x1  }
0x1: {  	s0 =	rddreg [dreg:$0x0]  }
0x2: {  	s1 =	rddreg [dreg:$0x1]  }
0x3: {  	s2 =	rddreg [dreg:$0x2]  }
0x4: {  	s4 =	rddreg [dreg:$0x3]  }
0x5: {  	s3 =	srdreg.scid;
	s11 =	stileid.u32;
	s12 =	simm.s32 $0x400  }
0x6: {  	s15 =	simm.s32 $0x7800;
	s13 =	simm.s32 $0x9000;
	s28 =	simm.s32 $0xB800  }
0x7: {  	s29 =	simm.s32 $0xC000;
	s30 =	simm.s32 $0xC800;
	s31 =	simm.s32 $0xD000  }
0x8: {  	s5 =	sand.u32 $0x1, s3;
	s3 =	simm.s32 $0x0;
	s6 =	sshll.u32 s11, $0x5  }
0x9: {  	s10 =	sshrl.u32 s11, $0x1;
	s18 =	sand.u32 $0x3, s11;
	p0 =	sgt.u32 s11, $0x3  }
0xa: {  	s11 =	simm.s32 $0x7000;
	s7 =	sshll.u32 s5, $0x4;
	[smem:$0x7FF] =	sst s3  }
0xb: {  	s8 =	ssub.s32 $0x2, s5;
	s16 =	sand.u32 $0x6, s10;
	s20 =	sshll.u32 s18, $0xE  }
0xc: {  	s22 =	sshll.u32 s18, $0x9;
	s18 =	simm.s32 $0x1;
	s6 =	sor.u32 s7, s6  }
0xd: {  	_ =	strace $0x80000047;
	s9 =	sshrl.u32 s8, $0x1;
	s7 =	sadd.s32 s6, s1  }
0xe: {  	s1 =	sadd.s32 $0x1600, s1;
	s9 =	ssub.s32 s8, s9;
	s0 =	sadd.s32 s0, s6  }
0xf: {  	s8 =	simm.s32 $0x80;
	[dreg:$0x5] =	wrdreg s0;
	s17 =	sadd.s32 $0x1400, s7  }
0x10: {  	s0 =	sor.u32 s5, s16;
	s19 =	sadd.s32 $0x1E00, s7;
	s6 =	sadd.s32 s1, s6  }
0x11: {  	s1 =	sadd.s32 s1, s22;
	s26 =	smax.u32 s9, $0x1;
	[dreg:$0x6] =	wrdreg s17  }
0x12: {  	s22 =	simm.s32 $0xF800;
	[dreg:$0x7] =	wrdreg s19;
	s21 =	sshll.u32 s0, $0x10  }
0x13: {  	[dreg:$0x8] =	wrdreg s6;
	s0 =	sshll.u32 s0, $0x4;
	s6 =	simm.s32 $0x3  }
0x14: {  	[dreg:$0xc] =	wrdreg s26;
	s26 =	simm.s32 $0xB000;
	s5 =	sor.u32 s20, s21  }
.Ltmp0:
0x15: {  	s7 =	sadd.s32 s0, s1;
	s0 =	simm.s32 $0x2;
	(pc) =	sbr.rel .LBB2_1-.Ltmp0, $4  }
0x16: {  	s1 =	simm.s32 $0x0;
	s21 =	simm.s32 $0x14000;
	s23 =	sadd.s32 s4, s5  }
0x17: {  	vm0 =	vmmov $0x1;
	v0 =	vimm.s32 $0x0;
	v1 =	vlaneseq.u32;
	s24 =	sadd.s32 $0x1000, s23;
	s4 =	sadd.s32 $0x2000, s23;
	[dreg:$0x9] =	wrdreg s23  }
0x18: {  	v2 =	vimm.f32 $0.0e+00;
	vm1 =	vmmov $0xffff;
	v4 =	vshrl.u32 v1, $0x3;
	s25 =	sadd.s32 $0x3000, s23;
	s23 =	simm.s32 $0x9800;
	[dreg:$0xa] =	wrdreg s24  }
0x19: {  	v3 =	vand.u32 $0x7, v1;
	v5 =	vor.u32 $0x8, v1;
	v4 =	vmul.u32 $0x8, v4;
	[dreg:$0xb] =	wrdreg s25;
	s24 =	simm.s32 $0xA000;
	s25 =	simm.s32 $0xA800  }
.LBB2_7:
0x1a: {  	v9 =	vor.u32 s19, v1  }
0x1b: {  	vm2 =	veq.s32 v6, v8;
	vm3 =	vle.s32 v9, v7  }
0x1c: {  	vm4 =	vlt.s32 v6, v8;
	vm2 =	vmand vm3, vm2  }
0x1d: {  	vm2 =	vmor vm4, vm2  }
0x1e: {  	v6 =	vsel vm2, $0x1, v0  }
0x1f: {  	(xrf0) =	vadd.scan.msk.s32 $0xffff, v6;
	_ =	sdelay $0x5  }
0x20: {  	v6, _, _ =	vpop (xrf0)  }
0x21: {  	(v2sf) =	vpush v6, $0xF;
	_ =	sdelay $0x9  }
0x22: {  	s4 =	spop (v2sf)  }
0x23: {  	s4 =	sadd.s32 s17, s4  }
0x24: {  	[tilespmem:s4+$0x4D00] =	vst.msk vm2, v9  }
0x25: {  	s5 =	simm.s32 $0x5580;
	[tilespmem:s4+$0x5580] =	vst.msk vm2, v8;
	s4 =	rddreg [dreg:$0x7]  }
0x26: {  	[hbm4b:s4+s8] =	stream.strided.scatter [tilespmem:s5], [sflag:$0x3], $0x800, s12, s8, $0x38;
	[tilespmem:$0x16000] =	vst v63  }
0x27: {  	s17 =	spop (v2sf)  }
0x28: {  	_ =	swait.ge [sflag:s6], $0x800  }
0x29: {  	[sflag:s6] =	ssyncset.done $0x0  }
0x2a: {  	s20 =	simm.s32 $0x4D00;
	s19 =	rddreg [dreg:$0x8];
	[sflag:s6] =	ssyncadd.s32 $0xFFFFF800  }
0x2b: {  	[hbm4b:s19+s8] =	stream.strided.scatter [tilespmem:s20], [sflag:$0x3], $0x800, s12, s8, $0x38;
	[tilespmem:$0x16000] =	vst v63  }
0x2c: {  	_ =	swait.ge [sflag:s6], $0x800  }
0x2d: {  	[sflag:s6] =	ssyncset.done $0x0  }
0x2e: {  	s4 =	smov.u32 s9;
	[sflag:s6] =	ssyncadd.s32 $0xFFFFF800  }
.LBB2_8:
0x2f: {  	[bflag:$0x0] =	sbarrier.arrive $0xFFFF;
	s5 =	simm.s32 $0x5E00  }
0x30: {  	[tilespmem:s5], [sflag:$0x3] =	stream.strided.gather [hbm4b:s7+s8], $0x200, s12, s8, $0x38;
	[tilespmem:$0x16000] =	vst v63  }
0x31: {  	_ =	swait.ge [sflag:s6], $0x200  }
0x32: {  	[sflag:s6] =	ssyncset.done $0x0  }
0x33: {  	[sflag:s6] =	ssyncadd.s32 $0xFFFFFE00  }
0x34: {  	v6 =	vld [tilespmem:$0x5E00];
	_ =	sdelay $0x4  }
0x35: {  	v7 =	vshll.u32 v6, $0x1  }
0x36: {  	v6 =	vand.u32 $0x7, v6;
	v7 =	vand.u32 $0xFFFFFFF0, v7  }
0x37: {  	v6 =	vor.u32 v6, v7  }
0x38: {  	v7 =	vperm.xlane v6, v3;
	_ =	sdelay $0x1  }
0x39: {  	v6 =	vperm.xlane v6, v5;
	v7 =	vadd.s32 v4, v7;
	_ =	sdelay $0x1  }
0x3a: {  	v6 =	vadd.s32 v4, v6;
	_ =	sdelay $0x1  }
0x3b: {  	s10 =	simm.s32 $0x6000  }
0x3c: {  	[tilespmem:s10], [sflag:$0x1] =	stream.indirect_vreg.gather [hbm4b:s2+s3], $0x80, v7, vm1, $0xb8;
	[tilespmem:$0x16000] =	vst v63  }
0x3d: {  	s9 =	simm.s32 $0x6800  }
0x3e: {  	[tilespmem:s9], [sflag:$0x1] =	stream.indirect_vreg.gather [hbm4b:s2+s3], $0x80, v6, vm1, $0xb8;
	[tilespmem:$0x16000] =	vst v63  }
0x3f: {  	v6 =	vld [tilespmem:$0x5E10];
	_ =	sdelay $0x4  }
0x40: {  	v7 =	vshll.u32 v6, $0x1  }
0x41: {  	v6 =	vand.u32 $0x7, v6;
	v7 =	vand.u32 $0xFFFFFFF0, v7  }
0x42: {  	v6 =	vor.u32 v6, v7  }
0x43: {  	v7 =	vperm.xlane v6, v3;
	_ =	sdelay $0x1  }
0x44: {  	v6 =	vperm.xlane v6, v5;
	v7 =	vadd.s32 v4, v7;
	_ =	sdelay $0x1  }
0x45: {  	v6 =	vadd.s32 v4, v6;
	_ =	sdelay $0x2  }
0x46: {  	[tilespmem:s11], [sflag:$0x1] =	stream.indirect_vreg.gather [hbm4b:s2+s3], $0x80, v7, vm1, $0xb8;
	[tilespmem:$0x16000] =	vst v63  }
0x47: {  	_ = 	snop  }
0x48: {  	[tilespmem:s15], [sflag:$0x1] =	stream.indirect_vreg.gather [hbm4b:s2+s3], $0x80, v6, vm1, $0xb8;
	[tilespmem:$0x16000] =	vst v63  }
0x49: {  	v6 =	vld [tilespmem:$0x5E20];
	_ =	sdelay $0x4  }
0x4a: {  	v7 =	vshll.u32 v6, $0x1  }
0x4b: {  	v6 =	vand.u32 $0x7, v6;
	v7 =	vand.u32 $0xFFFFFFF0, v7  }
0x4c: {  	v6 =	vor.u32 v6, v7  }
0x4d: {  	v7 =	vperm.xlane v6, v3;
	_ =	sdelay $0x1  }
0x4e: {  	v6 =	vperm.xlane v6, v5;
	v7 =	vadd.s32 v4, v7;
	_ =	sdelay $0x1  }
0x4f: {  	v6 =	vadd.s32 v4, v6;
	_ =	sdelay $0x1  }
0x50: {  	s17 =	simm.s32 $0x8000  }
0x51: {  	[tilespmem:s17], [sflag:$0x1] =	stream.indirect_vreg.gather [hbm4b:s2+s3], $0x80, v7, vm1, $0xb8;
	[tilespmem:$0x16000] =	vst v63  }
0x52: {  	s12 =	simm.s32 $0x8800  }
0x53: {  	[tilespmem:s12], [sflag:$0x1] =	stream.indirect_vreg.gather [hbm4b:s2+s3], $0x80, v6, vm1, $0xb8;
	[tilespmem:$0x16000] =	vst v63  }
0x54: {  	v6 =	vld [tilespmem:$0x5E30];
	_ =	sdelay $0x4  }
0x55: {  	v7 =	vshll.u32 v6, $0x1  }
0x56: {  	v6 =	vand.u32 $0x7, v6;
	v7 =	vand.u32 $0xFFFFFFF0, v7  }
0x57: {  	v6 =	vor.u32 v6, v7  }
0x58: {  	v7 =	vperm.xlane v6, v3;
	_ =	sdelay $0x1  }
0x59: {  	v6 =	vperm.xlane v6, v5;
	v7 =	vadd.s32 v4, v7;
	_ =	sdelay $0x1  }
0x5a: {  	v6 =	vadd.s32 v4, v6;
	_ =	sdelay $0x2  }
0x5b: {  	[tilespmem:s13], [sflag:$0x1] =	stream.indirect_vreg.gather [hbm4b:s2+s3], $0x80, v7, vm1, $0xb8;
	[tilespmem:$0x16000] =	vst v63  }
0x5c: {  	_ = 	snop  }
0x5d: {  	[tilespmem:s23], [sflag:$0x1] =	stream.indirect_vreg.gather [hbm4b:s2+s3], $0x80, v6, vm1, $0xb8;
	[tilespmem:$0x16000] =	vst v63  }
0x5e: {  	v6 =	vld [tilespmem:$0x5E40];
	_ =	sdelay $0x4  }
0x5f: {  	v7 =	vshll.u32 v6, $0x1  }
0x60: {  	v6 =	vand.u32 $0x7, v6;
	v7 =	vand.u32 $0xFFFFFFF0, v7  }
0x61: {  	v6 =	vor.u32 v6, v7  }
0x62: {  	v7 =	vperm.xlane v6, v3;
	_ =	sdelay $0x1  }
0x63: {  	v6 =	vperm.xlane v6, v5;
	v7 =	vadd.s32 v4, v7;
	_ =	sdelay $0x1  }
0x64: {  	v6 =	vadd.s32 v4, v6;
	_ =	sdelay $0x2  }
0x65: {  	[tilespmem:s24], [sflag:$0x1] =	stream.indirect_vreg.gather [hbm4b:s2+s3], $0x80, v7, vm1, $0xb8;
	[tilespmem:$0x16000] =	vst v63  }
0x66: {  	_ = 	snop  }
0x67: {  	[tilespmem:s25], [sflag:$0x1] =	stream.indirect_vreg.gather [hbm4b:s2+s3], $0x80, v6, vm1, $0xb8;
	[tilespmem:$0x16000] =	vst v63  }
0x68: {  	v6 =	vld [tilespmem:$0x5E50];
	_ =	sdelay $0x4  }
0x69: {  	v7 =	vshll.u32 v6, $0x1  }
0x6a: {  	v6 =	vand.u32 $0x7, v6;
	v7 =	vand.u32 $0xFFFFFFF0, v7  }
0x6b: {  	v6 =	vor.u32 v6, v7  }
0x6c: {  	v7 =	vperm.xlane v6, v3;
	_ =	sdelay $0x1  }
0x6d: {  	v6 =	vperm.xlane v6, v5;
	v7 =	vadd.s32 v4, v7;
	_ =	sdelay $0x1  }
0x6e: {  	v6 =	vadd.s32 v4, v6;
	_ =	sdelay $0x2  }
0x6f: {  	[tilespmem:s26], [sflag:$0x1] =	stream.indirect_vreg.gather [hbm4b:s2+s3], $0x80, v7, vm1, $0xb8;
	[tilespmem:$0x16000] =	vst v63  }
0x70: {  	_ = 	snop  }
0x71: {  	[tilespmem:s28], [sflag:$0x1] =	stream.indirect_vreg.gather [hbm4b:s2+s3], $0x80, v6, vm1, $0xb8;
	[tilespmem:$0x16000] =	vst v63  }
0x72: {  	v6 =	vld [tilespmem:$0x5E60];
	_ =	sdelay $0x4  }
0x73: {  	v7 =	vshll.u32 v6, $0x1  }
0x74: {  	v6 =	vand.u32 $0x7, v6;
	v7 =	vand.u32 $0xFFFFFFF0, v7  }
0x75: {  	v6 =	vor.u32 v6, v7  }
0x76: {  	v7 =	vperm.xlane v6, v3;
	_ =	sdelay $0x1  }
0x77: {  	v6 =	vperm.xlane v6, v5;
	v7 =	vadd.s32 v4, v7;
	_ =	sdelay $0x1  }
0x78: {  	v6 =	vadd.s32 v4, v6;
	_ =	sdelay $0x2  }
0x79: {  	[tilespmem:s29], [sflag:$0x1] =	stream.indirect_vreg.gather [hbm4b:s2+s3], $0x80, v7, vm1, $0xb8;
	[tilespmem:$0x16000] =	vst v63  }
0x7a: {  	_ = 	snop  }
0x7b: {  	[tilespmem:s30], [sflag:$0x1] =	stream.indirect_vreg.gather [hbm4b:s2+s3], $0x80, v6, vm1, $0xb8;
	[tilespmem:$0x16000] =	vst v63  }
0x7c: {  	v6 =	vld [tilespmem:$0x5E70];
	_ =	sdelay $0x4  }
0x7d: {  	v7 =	vshll.u32 v6, $0x1  }
0x7e: {  	v6 =	vand.u32 $0x7, v6;
	v7 =	vand.u32 $0xFFFFFFF0, v7  }
0x7f: {  	v6 =	vor.u32 v6, v7  }
0x80: {  	v7 =	vperm.xlane v6, v3;
	_ =	sdelay $0x1  }
0x81: {  	v6 =	vperm.xlane v6, v5;
	v7 =	vadd.s32 v4, v7;
	_ =	sdelay $0x1  }
0x82: {  	v6 =	vadd.s32 v4, v6;
	_ =	sdelay $0x2  }
0x83: {  	[tilespmem:s31], [sflag:$0x1] =	stream.indirect_vreg.gather [hbm4b:s2+s3], $0x80, v7, vm1, $0xb8;
	[tilespmem:$0x16000] =	vst v63  }
0x84: {  	s8 =	simm.s32 $0xD800  }
0x85: {  	[tilespmem:s8], [sflag:$0x1] =	stream.indirect_vreg.gather [hbm4b:s2+s3], $0x80, v6, vm1, $0xb8;
	[tilespmem:$0x16000] =	vst v63  }
0x86: {  	_ =	swait.ge [sflag:s18], $0x8000  }
0x87: {  	[sflag:s18] =	ssyncset.done $0x0  }
0x88: {  	s14 =	rddreg [dreg:$0x9];
	[sflag:s18] =	ssyncadd.s32 $0xFFFF8000  }
0x89: {  	[hbm4b:s14+s3] =	stream.linear.scatter [tilespmem:s10], [sflag:$0x2], $0x8000, $0x38;
	[tilespmem:$0x16000] =	vst v63  }
0x8a: {  	v6 =	vld [tilespmem:$0x5E80];
	_ =	sdelay $0x4  }
0x8b: {  	v7 =	vshll.u32 v6, $0x1  }
0x8c: {  	v6 =	vand.u32 $0x7, v6;
	v7 =	vand.u32 $0xFFFFFFF0, v7  }
0x8d: {  	v6 =	vor.u32 v6, v7  }
0x8e: {  	v7 =	vperm.xlane v6, v3;
	_ =	sdelay $0x1  }
0x8f: {  	v6 =	vperm.xlane v6, v5;
	v7 =	vadd.s32 v4, v7;
	_ =	sdelay $0x1  }
0x90: {  	v6 =	vadd.s32 v4, v6;
	_ =	sdelay $0x1  }
0x91: {  	s5 =	simm.s32 $0xE000  }
0x92: {  	[tilespmem:s5], [sflag:$0x1] =	stream.indirect_vreg.gather [hbm4b:s2+s3], $0x80, v7, vm1, $0xb8;
	[tilespmem:$0x16000] =	vst v63  }
0x93: {  	s14 =	simm.s32 $0xE800  }
0x94: {  	[tilespmem:s14], [sflag:$0x1] =	stream.indirect_vreg.gather [hbm4b:s2+s3], $0x80, v6, vm1, $0xb8;
	[tilespmem:$0x16000] =	vst v63  }
0x95: {  	v6 =	vld [tilespmem:$0x5E90];
	_ =	sdelay $0x4  }
0x96: {  	v7 =	vshll.u32 v6, $0x1  }
0x97: {  	v6 =	vand.u32 $0x7, v6;
	v7 =	vand.u32 $0xFFFFFFF0, v7  }
0x98: {  	v6 =	vor.u32 v6, v7  }
0x99: {  	v7 =	vperm.xlane v6, v3;
	_ =	sdelay $0x1  }
0x9a: {  	v6 =	vperm.xlane v6, v5;
	v7 =	vadd.s32 v4, v7;
	_ =	sdelay $0x1  }
0x9b: {  	v6 =	vadd.s32 v4, v6;
	_ =	sdelay $0x1  }
0x9c: {  	s16 =	simm.s32 $0xF000  }
0x9d: {  	[tilespmem:s16], [sflag:$0x1] =	stream.indirect_vreg.gather [hbm4b:s2+s3], $0x80, v7, vm1, $0xb8;
	[tilespmem:$0x16000] =	vst v63  }
0x9e: {  	_ = 	snop  }
0x9f: {  	[tilespmem:s22], [sflag:$0x1] =	stream.indirect_vreg.gather [hbm4b:s2+s3], $0x80, v6, vm1, $0xb8;
	[tilespmem:$0x16000] =	vst v63  }
0xa0: {  	v6 =	vld [tilespmem:$0x5EA0];
	_ =	sdelay $0x4  }
0xa1: {  	v7 =	vshll.u32 v6, $0x1  }
0xa2: {  	v6 =	vand.u32 $0x7, v6;
	v7 =	vand.u32 $0xFFFFFFF0, v7  }
0xa3: {  	v6 =	vor.u32 v6, v7  }
0xa4: {  	v7 =	vperm.xlane v6, v3;
	_ =	sdelay $0x1  }
0xa5: {  	v6 =	vperm.xlane v6, v5;
	v7 =	vadd.s32 v4, v7;
	_ =	sdelay $0x1  }
0xa6: {  	v6 =	vadd.s32 v4, v6;
	_ =	sdelay $0x1  }
0xa7: {  	s19 =	simm.s32 $0x10000  }
0xa8: {  	[tilespmem:s19], [sflag:$0x1] =	stream.indirect_vreg.gather [hbm4b:s2+s3], $0x80, v7, vm1, $0xb8;
	[tilespmem:$0x16000] =	vst v63  }
0xa9: {  	s20 =	simm.s32 $0x10800  }
0xaa: {  	[tilespmem:s20], [sflag:$0x1] =	stream.indirect_vreg.gather [hbm4b:s2+s3], $0x80, v6, vm1, $0xb8;
	[tilespmem:$0x16000] =	vst v63  }
0xab: {  	v6 =	vld [tilespmem:$0x5EB0];
	_ =	sdelay $0x4  }
0xac: {  	v7 =	vshll.u32 v6, $0x1  }
0xad: {  	v6 =	vand.u32 $0x7, v6;
	v7 =	vand.u32 $0xFFFFFFF0, v7  }
0xae: {  	v6 =	vor.u32 v6, v7  }
0xaf: {  	v7 =	vperm.xlane v6, v3;
	_ =	sdelay $0x1  }
0xb0: {  	v6 =	vperm.xlane v6, v5;
	v7 =	vadd.s32 v4, v7;
	_ =	sdelay $0x1  }
0xb1: {  	v6 =	vadd.s32 v4, v6;
	_ =	sdelay $0x1  }
0xb2: {  	s19 =	simm.s32 $0x11000  }
0xb3: {  	[tilespmem:s19], [sflag:$0x1] =	stream.indirect_vreg.gather [hbm4b:s2+s3], $0x80, v7, vm1, $0xb8;
	[tilespmem:$0x16000] =	vst v63  }
0xb4: {  	s20 =	simm.s32 $0x11800  }
0xb5: {  	[tilespmem:s20], [sflag:$0x1] =	stream.indirect_vreg.gather [hbm4b:s2+s3], $0x80, v6, vm1, $0xb8;
	[tilespmem:$0x16000] =	vst v63  }
0xb6: {  	v6 =	vld [tilespmem:$0x5EC0];
	_ =	sdelay $0x4  }
0xb7: {  	v7 =	vshll.u32 v6, $0x1  }
0xb8: {  	v6 =	vand.u32 $0x7, v6;
	v7 =	vand.u32 $0xFFFFFFF0, v7  }
0xb9: {  	v6 =	vor.u32 v6, v7  }
0xba: {  	v7 =	vperm.xlane v6, v3;
	_ =	sdelay $0x1  }
0xbb: {  	v6 =	vperm.xlane v6, v5;
	v7 =	vadd.s32 v4, v7;
	_ =	sdelay $0x1  }
0xbc: {  	v6 =	vadd.s32 v4, v6;
	_ =	sdelay $0x1  }
0xbd: {  	s19 =	simm.s32 $0x12000  }
0xbe: {  	[tilespmem:s19], [sflag:$0x1] =	stream.indirect_vreg.gather [hbm4b:s2+s3], $0x80, v7, vm1, $0xb8;
	[tilespmem:$0x16000] =	vst v63  }
0xbf: {  	s20 =	simm.s32 $0x12800  }
0xc0: {  	[tilespmem:s20], [sflag:$0x1] =	stream.indirect_vreg.gather [hbm4b:s2+s3], $0x80, v6, vm1, $0xb8;
	[tilespmem:$0x16000] =	vst v63  }
0xc1: {  	v6 =	vld [tilespmem:$0x5ED0];
	_ =	sdelay $0x4  }
0xc2: {  	v7 =	vshll.u32 v6, $0x1  }
0xc3: {  	v6 =	vand.u32 $0x7, v6;
	v7 =	vand.u32 $0xFFFFFFF0, v7  }
0xc4: {  	v6 =	vor.u32 v6, v7  }
0xc5: {  	v7 =	vperm.xlane v6, v3;
	_ =	sdelay $0x1  }
0xc6: {  	v6 =	vperm.xlane v6, v5;
	v7 =	vadd.s32 v4, v7;
	_ =	sdelay $0x1  }
0xc7: {  	v6 =	vadd.s32 v4, v6;
	_ =	sdelay $0x1  }
0xc8: {  	s19 =	simm.s32 $0x13000  }
0xc9: {  	[tilespmem:s19], [sflag:$0x1] =	stream.indirect_vreg.gather [hbm4b:s2+s3], $0x80, v7, vm1, $0xb8;
	[tilespmem:$0x16000] =	vst v63  }
0xca: {  	s20 =	simm.s32 $0x13800  }
0xcb: {  	[tilespmem:s20], [sflag:$0x1] =	stream.indirect_vreg.gather [hbm4b:s2+s3], $0x80, v6, vm1, $0xb8;
	[tilespmem:$0x16000] =	vst v63  }
0xcc: {  	v6 =	vld [tilespmem:$0x5EE0];
	_ =	sdelay $0x4  }
0xcd: {  	v7 =	vshll.u32 v6, $0x1  }
0xce: {  	v6 =	vand.u32 $0x7, v6;
	v7 =	vand.u32 $0xFFFFFFF0, v7  }
0xcf: {  	v6 =	vor.u32 v6, v7  }
0xd0: {  	v7 =	vperm.xlane v6, v3;
	_ =	sdelay $0x1  }
0xd1: {  	v6 =	vperm.xlane v6, v5;
	v7 =	vadd.s32 v4, v7;
	_ =	sdelay $0x1  }
0xd2: {  	v6 =	vadd.s32 v4, v6;
	_ =	sdelay $0x2  }
0xd3: {  	[tilespmem:s21], [sflag:$0x1] =	stream.indirect_vreg.gather [hbm4b:s2+s3], $0x80, v7, vm1, $0xb8;
	[tilespmem:$0x16000] =	vst v63  }
0xd4: {  	s16 =	simm.s32 $0x14800  }
0xd5: {  	[tilespmem:s16], [sflag:$0x1] =	stream.indirect_vreg.gather [hbm4b:s2+s3], $0x80, v6, vm1, $0xb8;
	[tilespmem:$0x16000] =	vst v63  }
0xd6: {  	v6 =	vld [tilespmem:$0x5EF0];
	_ =	sdelay $0x4  }
0xd7: {  	v7 =	vshll.u32 v6, $0x1  }
0xd8: {  	v6 =	vand.u32 $0x7, v6;
	v7 =	vand.u32 $0xFFFFFFF0, v7  }
0xd9: {  	v6 =	vor.u32 v6, v7  }
0xda: {  	v7 =	vperm.xlane v6, v3;
	_ =	sdelay $0x1  }
0xdb: {  	v6 =	vperm.xlane v6, v5;
	v7 =	vadd.s32 v4, v7;
	_ =	sdelay $0x1  }
0xdc: {  	v6 =	vadd.s32 v4, v6;
	_ =	sdelay $0x1  }
0xdd: {  	s16 =	simm.s32 $0x15000  }
0xde: {  	[tilespmem:s16], [sflag:$0x1] =	stream.indirect_vreg.gather [hbm4b:s2+s3], $0x80, v7, vm1, $0xb8;
	[tilespmem:$0x16000] =	vst v63  }
0xdf: {  	s16 =	simm.s32 $0x15800  }
0xe0: {  	[tilespmem:s16], [sflag:$0x1] =	stream.indirect_vreg.gather [hbm4b:s2+s3], $0x80, v6, vm1, $0xb8;
	[tilespmem:$0x16000] =	vst v63  }
0xe1: {  	_ =	swait.ge [sflag:s18], $0x8000  }
0xe2: {  	[sflag:s18] =	ssyncset.done $0x0  }
0xe3: {  	[sflag:s18] =	ssyncadd.s32 $0xFFFF8000  }
0xe4: {  	_ =	swait.ge [sflag:s0], $0x8000  }
0xe5: {  	[sflag:s0] =	ssyncset.done $0x0  }
0xe6: {  	s16 =	smov.u32 s4;
	s4 =	rddreg [dreg:$0xa];
	[sflag:s0] =	ssyncadd.s32 $0xFFFF8000  }
0xe7: {  	[hbm4b:s4+s3] =	stream.linear.scatter [tilespmem:s5], [sflag:$0x2], $0x8000, $0x38;
	[tilespmem:$0x16000] =	vst v63  }
0xe8: {  	v6 =	vld [tilespmem:$0x5F00];
	_ =	sdelay $0x4  }
0xe9: {  	v7 =	vshll.u32 v6, $0x1  }
0xea: {  	v6 =	vand.u32 $0x7, v6;
	v7 =	vand.u32 $0xFFFFFFF0, v7  }
0xeb: {  	v6 =	vor.u32 v6, v7  }
0xec: {  	v7 =	vperm.xlane v6, v3;
	_ =	sdelay $0x1  }
0xed: {  	v6 =	vperm.xlane v6, v5;
	v7 =	vadd.s32 v4, v7;
	_ =	sdelay $0x1  }
0xee: {  	v6 =	vadd.s32 v4, v6;
	_ =	sdelay $0x2  }
0xef: {  	[tilespmem:s10], [sflag:$0x1] =	stream.indirect_vreg.gather [hbm4b:s2+s3], $0x80, v7, vm1, $0xb8;
	[tilespmem:$0x16000] =	vst v63  }
0xf0: {  	_ = 	snop  }
0xf1: {  	[tilespmem:s9], [sflag:$0x1] =	stream.indirect_vreg.gather [hbm4b:s2+s3], $0x80, v6, vm1, $0xb8;
	[tilespmem:$0x16000] =	vst v63  }
0xf2: {  	v6 =	vld [tilespmem:$0x5F10];
	_ =	sdelay $0x4  }
0xf3: {  	v7 =	vshll.u32 v6, $0x1  }
0xf4: {  	v6 =	vand.u32 $0x7, v6;
	v7 =	vand.u32 $0xFFFFFFF0, v7  }
0xf5: {  	v6 =	vor.u32 v6, v7  }
0xf6: {  	v7 =	vperm.xlane v6, v3;
	_ =	sdelay $0x1  }
0xf7: {  	v6 =	vperm.xlane v6, v5;
	v7 =	vadd.s32 v4, v7;
	_ =	sdelay $0x1  }
0xf8: {  	v6 =	vadd.s32 v4, v6;
	_ =	sdelay $0x2  }
0xf9: {  	[tilespmem:s11], [sflag:$0x1] =	stream.indirect_vreg.gather [hbm4b:s2+s3], $0x80, v7, vm1, $0xb8;
	[tilespmem:$0x16000] =	vst v63  }
0xfa: {  	_ = 	snop  }
0xfb: {  	[tilespmem:s15], [sflag:$0x1] =	stream.indirect_vreg.gather [hbm4b:s2+s3], $0x80, v6, vm1, $0xb8;
	[tilespmem:$0x16000] =	vst v63  }
0xfc: {  	v6 =	vld [tilespmem:$0x5F20];
	_ =	sdelay $0x4  }
0xfd: {  	v7 =	vshll.u32 v6, $0x1  }
0xfe: {  	v6 =	vand.u32 $0x7, v6;
	v7 =	vand.u32 $0xFFFFFFF0, v7  }
0xff: {  	v6 =	vor.u32 v6, v7  }
0x100: {  	v7 =	vperm.xlane v6, v3;
	_ =	sdelay $0x1  }
0x101: {  	v6 =	vperm.xlane v6, v5;
	v7 =	vadd.s32 v4, v7;
	_ =	sdelay $0x1  }
0x102: {  	v6 =	vadd.s32 v4, v6;
	_ =	sdelay $0x2  }
0x103: {  	[tilespmem:s17], [sflag:$0x1] =	stream.indirect_vreg.gather [hbm4b:s2+s3], $0x80, v7, vm1, $0xb8;
	[tilespmem:$0x16000] =	vst v63  }
0x104: {  	_ = 	snop  }
0x105: {  	[tilespmem:s12], [sflag:$0x1] =	stream.indirect_vreg.gather [hbm4b:s2+s3], $0x80, v6, vm1, $0xb8;
	[tilespmem:$0x16000] =	vst v63  }
0x106: {  	v6 =	vld [tilespmem:$0x5F30];
	_ =	sdelay $0x4  }
0x107: {  	v7 =	vshll.u32 v6, $0x1  }
0x108: {  	v6 =	vand.u32 $0x7, v6;
	v7 =	vand.u32 $0xFFFFFFF0, v7  }
0x109: {  	v6 =	vor.u32 v6, v7  }
0x10a: {  	v7 =	vperm.xlane v6, v3;
	_ =	sdelay $0x1  }
0x10b: {  	v6 =	vperm.xlane v6, v5;
	v7 =	vadd.s32 v4, v7;
	_ =	sdelay $0x1  }
0x10c: {  	v6 =	vadd.s32 v4, v6;
	_ =	sdelay $0x2  }
0x10d: {  	[tilespmem:s13], [sflag:$0x1] =	stream.indirect_vreg.gather [hbm4b:s2+s3], $0x80, v7, vm1, $0xb8;
	[tilespmem:$0x16000] =	vst v63  }
0x10e: {  	_ = 	snop  }
0x10f: {  	[tilespmem:s23], [sflag:$0x1] =	stream.indirect_vreg.gather [hbm4b:s2+s3], $0x80, v6, vm1, $0xb8;
	[tilespmem:$0x16000] =	vst v63  }
0x110: {  	v6 =	vld [tilespmem:$0x5F40];
	_ =	sdelay $0x4  }
0x111: {  	v7 =	vshll.u32 v6, $0x1  }
0x112: {  	v6 =	vand.u32 $0x7, v6;
	v7 =	vand.u32 $0xFFFFFFF0, v7  }
0x113: {  	v6 =	vor.u32 v6, v7  }
0x114: {  	v7 =	vperm.xlane v6, v3;
	_ =	sdelay $0x1  }
0x115: {  	v6 =	vperm.xlane v6, v5;
	v7 =	vadd.s32 v4, v7;
	_ =	sdelay $0x1  }
0x116: {  	v6 =	vadd.s32 v4, v6;
	_ =	sdelay $0x2  }
0x117: {  	[tilespmem:s24], [sflag:$0x1] =	stream.indirect_vreg.gather [hbm4b:s2+s3], $0x80, v7, vm1, $0xb8;
	[tilespmem:$0x16000] =	vst v63  }
0x118: {  	_ = 	snop  }
0x119: {  	[tilespmem:s25], [sflag:$0x1] =	stream.indirect_vreg.gather [hbm4b:s2+s3], $0x80, v6, vm1, $0xb8;
	[tilespmem:$0x16000] =	vst v63  }
0x11a: {  	v6 =	vld [tilespmem:$0x5F50];
	_ =	sdelay $0x4  }
0x11b: {  	v7 =	vshll.u32 v6, $0x1  }
0x11c: {  	v6 =	vand.u32 $0x7, v6;
	v7 =	vand.u32 $0xFFFFFFF0, v7  }
0x11d: {  	v6 =	vor.u32 v6, v7  }
0x11e: {  	v7 =	vperm.xlane v6, v3;
	_ =	sdelay $0x1  }
0x11f: {  	v6 =	vperm.xlane v6, v5;
	v7 =	vadd.s32 v4, v7;
	_ =	sdelay $0x1  }
0x120: {  	v6 =	vadd.s32 v4, v6;
	_ =	sdelay $0x2  }
0x121: {  	[tilespmem:s26], [sflag:$0x1] =	stream.indirect_vreg.gather [hbm4b:s2+s3], $0x80, v7, vm1, $0xb8;
	[tilespmem:$0x16000] =	vst v63  }
0x122: {  	_ = 	snop  }
0x123: {  	[tilespmem:s28], [sflag:$0x1] =	stream.indirect_vreg.gather [hbm4b:s2+s3], $0x80, v6, vm1, $0xb8;
	[tilespmem:$0x16000] =	vst v63  }
0x124: {  	v6 =	vld [tilespmem:$0x5F60];
	_ =	sdelay $0x4  }
0x125: {  	v7 =	vshll.u32 v6, $0x1  }
0x126: {  	v6 =	vand.u32 $0x7, v6;
	v7 =	vand.u32 $0xFFFFFFF0, v7  }
0x127: {  	v6 =	vor.u32 v6, v7  }
0x128: {  	v7 =	vperm.xlane v6, v3;
	_ =	sdelay $0x1  }
0x129: {  	v6 =	vperm.xlane v6, v5;
	v7 =	vadd.s32 v4, v7;
	_ =	sdelay $0x1  }
0x12a: {  	v6 =	vadd.s32 v4, v6;
	_ =	sdelay $0x2  }
0x12b: {  	[tilespmem:s29], [sflag:$0x1] =	stream.indirect_vreg.gather [hbm4b:s2+s3], $0x80, v7, vm1, $0xb8;
	[tilespmem:$0x16000] =	vst v63  }
0x12c: {  	_ = 	snop  }
0x12d: {  	[tilespmem:s30], [sflag:$0x1] =	stream.indirect_vreg.gather [hbm4b:s2+s3], $0x80, v6, vm1, $0xb8;
	[tilespmem:$0x16000] =	vst v63  }
0x12e: {  	v6 =	vld [tilespmem:$0x5F70];
	_ =	sdelay $0x4  }
0x12f: {  	v7 =	vshll.u32 v6, $0x1  }
0x130: {  	v6 =	vand.u32 $0x7, v6;
	v7 =	vand.u32 $0xFFFFFFF0, v7  }
0x131: {  	v6 =	vor.u32 v6, v7  }
0x132: {  	v7 =	vperm.xlane v6, v3;
	_ =	sdelay $0x1  }
0x133: {  	v6 =	vperm.xlane v6, v5;
	v7 =	vadd.s32 v4, v7;
	_ =	sdelay $0x1  }
0x134: {  	v6 =	vadd.s32 v4, v6;
	_ =	sdelay $0x2  }
0x135: {  	[tilespmem:s31], [sflag:$0x1] =	stream.indirect_vreg.gather [hbm4b:s2+s3], $0x80, v7, vm1, $0xb8;
	[tilespmem:$0x16000] =	vst v63  }
0x136: {  	_ = 	snop  }
0x137: {  	[tilespmem:s8], [sflag:$0x1] =	stream.indirect_vreg.gather [hbm4b:s2+s3], $0x80, v6, vm1, $0xb8;
	[tilespmem:$0x16000] =	vst v63  }
0x138: {  	_ =	swait.ge [sflag:s18], $0x8000  }
0x139: {  	[sflag:s18] =	ssyncset.done $0x0  }
0x13a: {  	[sflag:s18] =	ssyncadd.s32 $0xFFFF8000  }
0x13b: {  	_ =	swait.ge [sflag:s0], $0x8000  }
0x13c: {  	[sflag:s0] =	ssyncset.done $0x0  }
0x13d: {  	[sflag:s0] =	ssyncadd.s32 $0xFFFF8000  }
0x13e: {  	[hbm4b:s16+s3] =	stream.linear.scatter [tilespmem:s10], [sflag:$0x2], $0x8000, $0x38;
	[tilespmem:$0x16000] =	vst v63  }
0x13f: {  	v6 =	vld [tilespmem:$0x5F80];
	_ =	sdelay $0x4  }
0x140: {  	v7 =	vshll.u32 v6, $0x1  }
0x141: {  	v6 =	vand.u32 $0x7, v6;
	v7 =	vand.u32 $0xFFFFFFF0, v7  }
0x142: {  	v6 =	vor.u32 v6, v7  }
0x143: {  	v7 =	vperm.xlane v6, v3;
	_ =	sdelay $0x1  }
0x144: {  	v6 =	vperm.xlane v6, v5;
	v7 =	vadd.s32 v4, v7;
	_ =	sdelay $0x1  }
0x145: {  	v6 =	vadd.s32 v4, v6;
	_ =	sdelay $0x2  }
0x146: {  	[tilespmem:s5], [sflag:$0x1] =	stream.indirect_vreg.gather [hbm4b:s2+s3], $0x80, v7, vm1, $0xb8;
	[tilespmem:$0x16000] =	vst v63  }
0x147: {  	_ = 	snop  }
0x148: {  	[tilespmem:s14], [sflag:$0x1] =	stream.indirect_vreg.gather [hbm4b:s2+s3], $0x80, v6, vm1, $0xb8;
	[tilespmem:$0x16000] =	vst v63  }
0x149: {  	v6 =	vld [tilespmem:$0x5F90];
	_ =	sdelay $0x4  }
0x14a: {  	v7 =	vshll.u32 v6, $0x1  }
0x14b: {  	v6 =	vand.u32 $0x7, v6;
	v7 =	vand.u32 $0xFFFFFFF0, v7  }
0x14c: {  	v6 =	vor.u32 v6, v7  }
0x14d: {  	v7 =	vperm.xlane v6, v3;
	_ =	sdelay $0x1  }
0x14e: {  	v6 =	vperm.xlane v6, v5;
	v7 =	vadd.s32 v4, v7;
	_ =	sdelay $0x1  }
0x14f: {  	v6 =	vadd.s32 v4, v6;
	_ =	sdelay $0x1  }
0x150: {  	s14 =	simm.s32 $0xF000  }
0x151: {  	[tilespmem:s14], [sflag:$0x1] =	stream.indirect_vreg.gather [hbm4b:s2+s3], $0x80, v7, vm1, $0xb8;
	[tilespmem:$0x16000] =	vst v63  }
0x152: {  	_ = 	snop  }
0x153: {  	[tilespmem:s22], [sflag:$0x1] =	stream.indirect_vreg.gather [hbm4b:s2+s3], $0x80, v6, vm1, $0xb8;
	[tilespmem:$0x16000] =	vst v63  }
0x154: {  	v6 =	vld [tilespmem:$0x5FA0];
	_ =	sdelay $0x4  }
0x155: {  	v7 =	vshll.u32 v6, $0x1  }
0x156: {  	v6 =	vand.u32 $0x7, v6;
	v7 =	vand.u32 $0xFFFFFFF0, v7  }
0x157: {  	v6 =	vor.u32 v6, v7  }
0x158: {  	v7 =	vperm.xlane v6, v3;
	_ =	sdelay $0x1  }
0x159: {  	v6 =	vperm.xlane v6, v5;
	v7 =	vadd.s32 v4, v7;
	_ =	sdelay $0x1  }
0x15a: {  	v6 =	vadd.s32 v4, v6;
	_ =	sdelay $0x1  }
0x15b: {  	s4 =	smov.u32 s16;
	s16 =	simm.s32 $0x10000  }
0x15c: {  	[tilespmem:s16], [sflag:$0x1] =	stream.indirect_vreg.gather [hbm4b:s2+s3], $0x80, v7, vm1, $0xb8;
	[tilespmem:$0x16000] =	vst v63  }
0x15d: {  	s17 =	simm.s32 $0x10800  }
0x15e: {  	[tilespmem:s17], [sflag:$0x1] =	stream.indirect_vreg.gather [hbm4b:s2+s3], $0x80, v6, vm1, $0xb8;
	[tilespmem:$0x16000] =	vst v63  }
0x15f: {  	v6 =	vld [tilespmem:$0x5FB0];
	_ =	sdelay $0x4  }
0x160: {  	v7 =	vshll.u32 v6, $0x1  }
0x161: {  	v6 =	vand.u32 $0x7, v6;
	v7 =	vand.u32 $0xFFFFFFF0, v7  }
0x162: {  	v6 =	vor.u32 v6, v7  }
0x163: {  	v7 =	vperm.xlane v6, v3;
	_ =	sdelay $0x1  }
0x164: {  	v6 =	vperm.xlane v6, v5;
	v7 =	vadd.s32 v4, v7;
	_ =	sdelay $0x1  }
0x165: {  	v6 =	vadd.s32 v4, v6;
	_ =	sdelay $0x1  }
0x166: {  	s14 =	simm.s32 $0x11000  }
0x167: {  	[tilespmem:s14], [sflag:$0x1] =	stream.indirect_vreg.gather [hbm4b:s2+s3], $0x80, v7, vm1, $0xb8;
	[tilespmem:$0x16000] =	vst v63  }
0x168: {  	s16 =	simm.s32 $0x11800  }
0x169: {  	[tilespmem:s16], [sflag:$0x1] =	stream.indirect_vreg.gather [hbm4b:s2+s3], $0x80, v6, vm1, $0xb8;
	[tilespmem:$0x16000] =	vst v63  }
0x16a: {  	v6 =	vld [tilespmem:$0x5FC0];
	_ =	sdelay $0x4  }
0x16b: {  	v7 =	vshll.u32 v6, $0x1  }
0x16c: {  	v6 =	vand.u32 $0x7, v6;
	v7 =	vand.u32 $0xFFFFFFF0, v7  }
0x16d: {  	v6 =	vor.u32 v6, v7  }
0x16e: {  	v7 =	vperm.xlane v6, v3;
	_ =	sdelay $0x1  }
0x16f: {  	v6 =	vperm.xlane v6, v5;
	v7 =	vadd.s32 v4, v7;
	_ =	sdelay $0x1  }
0x170: {  	v6 =	vadd.s32 v4, v6;
	_ =	sdelay $0x1  }
0x171: {  	s17 =	simm.s32 $0x12000  }
0x172: {  	[tilespmem:s17], [sflag:$0x1] =	stream.indirect_vreg.gather [hbm4b:s2+s3], $0x80, v7, vm1, $0xb8;
	[tilespmem:$0x16000] =	vst v63  }
0x173: {  	s14 =	simm.s32 $0x12800  }
0x174: {  	[tilespmem:s14], [sflag:$0x1] =	stream.indirect_vreg.gather [hbm4b:s2+s3], $0x80, v6, vm1, $0xb8;
	[tilespmem:$0x16000] =	vst v63  }
0x175: {  	v6 =	vld [tilespmem:$0x5FD0];
	_ =	sdelay $0x4  }
0x176: {  	v7 =	vshll.u32 v6, $0x1  }
0x177: {  	v6 =	vand.u32 $0x7, v6;
	v7 =	vand.u32 $0xFFFFFFF0, v7  }
0x178: {  	v6 =	vor.u32 v6, v7  }
0x179: {  	v7 =	vperm.xlane v6, v3;
	_ =	sdelay $0x1  }
0x17a: {  	v6 =	vperm.xlane v6, v5;
	v7 =	vadd.s32 v4, v7;
	_ =	sdelay $0x1  }
0x17b: {  	v6 =	vadd.s32 v4, v6;
	_ =	sdelay $0x2  }
0x17c: {  	[tilespmem:s19], [sflag:$0x1] =	stream.indirect_vreg.gather [hbm4b:s2+s3], $0x80, v7, vm1, $0xb8;
	[tilespmem:$0x16000] =	vst v63  }
0x17d: {  	_ = 	snop  }
0x17e: {  	[tilespmem:s20], [sflag:$0x1] =	stream.indirect_vreg.gather [hbm4b:s2+s3], $0x80, v6, vm1, $0xb8;
	[tilespmem:$0x16000] =	vst v63  }
0x17f: {  	v6 =	vld [tilespmem:$0x5FE0];
	_ =	sdelay $0x4  }
0x180: {  	v7 =	vshll.u32 v6, $0x1  }
0x181: {  	v6 =	vand.u32 $0x7, v6;
	v7 =	vand.u32 $0xFFFFFFF0, v7  }
0x182: {  	v6 =	vor.u32 v6, v7  }
0x183: {  	v7 =	vperm.xlane v6, v3;
	_ =	sdelay $0x1  }
0x184: {  	v6 =	vperm.xlane v6, v5;
	v7 =	vadd.s32 v4, v7;
	_ =	sdelay $0x1  }
0x185: {  	v6 =	vadd.s32 v4, v6;
	_ =	sdelay $0x2  }
0x186: {  	[tilespmem:s21], [sflag:$0x1] =	stream.indirect_vreg.gather [hbm4b:s2+s3], $0x80, v7, vm1, $0xb8;
	[tilespmem:$0x16000] =	vst v63  }
0x187: {  	s16 =	simm.s32 $0x14800  }
0x188: {  	[tilespmem:s16], [sflag:$0x1] =	stream.indirect_vreg.gather [hbm4b:s2+s3], $0x80, v6, vm1, $0xb8;
	[tilespmem:$0x16000] =	vst v63  }
0x189: {  	v6 =	vld [tilespmem:$0x5FF0];
	_ =	sdelay $0x4  }
0x18a: {  	v7 =	vshll.u32 v6, $0x1  }
0x18b: {  	v6 =	vand.u32 $0x7, v6;
	v7 =	vand.u32 $0xFFFFFFF0, v7  }
0x18c: {  	v6 =	vor.u32 v6, v7  }
0x18d: {  	v7 =	vperm.xlane v6, v3;
	_ =	sdelay $0x1  }
0x18e: {  	v6 =	vperm.xlane v6, v5;
	v7 =	vadd.s32 v4, v7;
	_ =	sdelay $0x1  }
0x18f: {  	v6 =	vadd.s32 v4, v6;
	_ =	sdelay $0x1  }
0x190: {  	s17 =	simm.s32 $0x15000  }
0x191: {  	[tilespmem:s17], [sflag:$0x1] =	stream.indirect_vreg.gather [hbm4b:s2+s3], $0x80, v7, vm1, $0xb8;
	[tilespmem:$0x16000] =	vst v63  }
0x192: {  	s19 =	simm.s32 $0x15800  }
0x193: {  	[tilespmem:s19], [sflag:$0x1] =	stream.indirect_vreg.gather [hbm4b:s2+s3], $0x80, v6, vm1, $0xb8;
	[tilespmem:$0x16000] =	vst v63  }
0x194: {  	s10 =	rddreg [dreg:$0xb];
	_ =	swait.ge [sflag:s18], $0x8000  }
0x195: {  	[sflag:s18] =	ssyncset.done $0x0  }
0x196: {  	[sflag:s18] =	ssyncadd.s32 $0xFFFF8000  }
0x197: {  	_ =	swait.ge [sflag:s0], $0x8000  }
0x198: {  	s1 =	sadd.s32 $0x1, s1;
	s20 =	rddreg [dreg:$0xc]  }
0x199: {  	[sflag:s0] =	ssyncset.done $0x0;
	p1 =	sne.s32 s1, s20  }
.Ltmp1:
0x19a: {  	[sflag:s0] =	ssyncadd.s32 $0xFFFF8000;
	(pc) =	sbr.rel @!p1 .LBB2_9-.Ltmp1, $4  }
0x19b: {  	[hbm4b:s10+s3] =	stream.linear.scatter [tilespmem:s5], [sflag:$0x2], $0x8000, $0x38;
	[tilespmem:$0x16000] =	vst v63  }
0x19c: {  	_ =	swait.ge [sflag:s0], $0x8000  }
0x19d: {  	[sflag:s0] =	ssyncset.done $0x0  }
0x19e: {  	s12 =	simm.s32 $0x400;
	s8 =	simm.s32 $0x80;
	[sflag:s0] =	ssyncadd.s32 $0xFFFF8000  }
.LBB2_1:
.Ltmp2:
0x19f: {  	(pc) =	sbr.rel @p0 .LBB2_8-.Ltmp2, $1  }
0x1a0: {  	_ =	sdelay $0x3  }
0x1a1: {  	s10 =	rddreg [dreg:$0x5]  }
0x1a2: {  	[tilespmem:s3], [sflag:$0x3] =	stream.strided.gather [hbm4b:s10+s8], $0x4B80, s12, s8, $0x38;
	[tilespmem:$0x16000] =	vst v63  }
0x1a3: {  	_ =	swait.ge [sflag:s6], $0x4B80  }
0x1a4: {  	[sflag:s6] =	ssyncset.done $0x0  }
0x1a5: {  	s17 =	simm.s32 $0x4B80;
	s14 =	rddreg [dreg:$0x6];
	[sflag:s6] =	ssyncadd.s32 $0xFFFFB480  }
0x1a6: {  	[tilespmem:s17], [sflag:$0x3] =	stream.strided.gather [hbm4b:s14+s8], $0x180, s12, s8, $0x38;
	[tilespmem:$0x16000] =	vst v63  }
0x1a7: {  	_ =	swait.ge [sflag:s6], $0x180  }
0x1a8: {  	[sflag:s6] =	ssyncset.done $0x0  }
0x1a9: {  	[sflag:s6] =	ssyncadd.s32 $0xFFFFFE80  }
0x1aa: {  	v6 =	vld [tilespmem:$0x4B80]  }
0x1ab: {  	v7 =	vld [tilespmem:$0x4C00]  }
0x1ac: {  	v8 =	vld [tilespmem:$0x4C80];
	_ =	sdelay $0x2  }
0x1ad: {  	v6 =	vnsel vm0, $0x0, v6  }
0x1ae: {  	(xrf0) =	vadd.scan.msk.s32 $0xffff, v6;
	v6 =	vnsel vm0, $0x0, v7  }
0x1af: {  	(xrf0) =	vadd.scan.msk.s32 $0xffff, v6;
	v6 =	vnsel vm0, $0x0, v8  }
0x1b0: {  	(xrf0) =	vadd.scan.msk.s32 $0xffff, v6;
	_ =	sdelay $0x3  }
0x1b1: {  	v6, _, _ =	vpop (xrf0)  }
0x1b2: {  	v7, _, _ =	vpop (xrf0)  }
0x1b3: {  	v8, _, _ =	vpop (xrf0)  }
0x1b4: {  	(v2sf) =	vpush v8, $0xF;
	_ =	sdelay $0xe  }
0x1b5: {  	s16 =	spop (v2sf)  }
0x1b6: {  	s19 =	sand.u32 $0xF, s16  }
0x1b7: {  	s20 =	sshra.s32 s16, $0x1F;
	p2 =	slt.s32 s16, $0x1;
	p1 =	sne.s32 s19, $0x0  }
0x1b8: {  	s9 =	smov.u32 s4;
	s17 =	sshrl.u32 s20, $0x1C;
	p1 =	por !p2, !p1  }
0x1b9: {  	s4 =	sadd.s32 s17, s16;
	s17 =	simm.s32 $0x1;
	p1 =	por !p1, !p1  }
0x1ba: {  	s4 =	sshra.s32 s4, $0x4;
	s17 =	simm.s32 @!p1 $0x0  }
0x1bb: {  	s4 =	ssub.s32 s4, s17  }
0x1bc: {  	p1 =	sgt.s32 s4, $0x80  }
.Ltmp3:
0x1bd: {  	_ = 	snop;
	(pc) =	sbr.rel @p1 .LBB2_5-.Ltmp3, $1  }
0x1be: {  	_ =	sdelay $0x3  }
0x1bf: {  	s16 =	ssub.s32 $0x81, s4  }
0x1c0: {  	p1 =	seq.s32 s16, $0x1  }
.Ltmp4:
0x1c1: {  	s17 =	sshll.u32 s4, $0x6;
	(pc) =	sbr.rel @p1 .LBB2_5-.Ltmp4, $4  }
0x1c2: {  	s20 =	sshra.s32 s17, $0x2  }
0x1c3: {  	s19 =	sadd.s32 $0x4D00, s20  }
0x1c4: {  	s4 =	sadd.s32 $0x5580, s20;
	[tilespmem:s19+$0x0] =	vst v0  }
0x1c5: {  	s17 =	sadd.s32 $0xFFFFFFFF, s16;
	s19 =	sadd.s32 $0x10, s19;
	[tilespmem:s4+$0x0] =	vst v2  }
.LBB2_4:
0x1c6: {  	[tilespmem:s19+$0x0] =	vst v0;
	s4 =	sadd.s32 $0x10, s4;
	p1 =	seq.s32 s17, $0x1  }
.Ltmp5:
0x1c7: {  	s17 =	sadd.s32 $0xFFFFFFFF, s17;
	[tilespmem:s4+$0x0] =	vst v2;
	(pc) =	sbr.rel @!p1 .LBB2_4-.Ltmp5, $2  }
0x1c8: {  	_ =	sdelay $0x2  }
0x1c9: {  	s19 =	sadd.s32 $0x10, s19  }
.LBB2_5:
0x1ca: {  	s17 =	simm.s32 $0x0  }
0x1cb: {  	v8 =	vld [tilespmem:s17+$0x0];
	_ =	sdelay $0x2  }
0x1cc: {  	v6 =	vbroadcast v6, $0xF;
	v7 =	vbroadcast v7, $0xF  }
0x1cd: {  	v9 =	vor.u32 s17, v1  }
0x1ce: {  	vm3 =	vle.s32 v9, v7;
	vm2 =	veq.s32 v6, v8  }
0x1cf: {  	vm4 =	vlt.s32 v6, v8;
	vm2 =	vmand vm3, vm2  }
0x1d0: {  	vm2 =	vmor vm4, vm2  }
0x1d1: {  	v10 =	vsel vm2, $0x1, v0  }
0x1d2: {  	(xrf0) =	vadd.scan.msk.s32 $0xffff, v10;
	_ =	sdelay $0x5  }
0x1d3: {  	[tilespmem:s17+$0x4D00] =	vst.msk vm2, v9;
	v9, _, _ =	vpop (xrf0)  }
0x1d4: {  	(v2sf) =	vpush v9, $0xF  }
0x1d5: {  	s19 =	simm.s32 $0x10;
	[tilespmem:s17+$0x5580] =	vst.msk vm2, v8  }
0x1d6: {  	s20 =	simm.s32 $0x20;
	s4 =	simm.s32 $0x10;
	v8 =	vld [tilespmem:s19+$0x0]  }
.LBB2_6:
0x1d7: {  	p1 =	sne.s32 s20, $0x4B30;
	_ =	sdelay $0x2  }
0x1d8: {  	v9 =	vor.u32 s19, v1;
	s19 =	smov.u32 s20  }
0x1d9: {  	vm2 =	veq.s32 v6, v8;
	vm3 =	vle.s32 v9, v7  }
0x1da: {  	vm4 =	vlt.s32 v6, v8;
	vm2 =	vmand vm3, vm2  }
0x1db: {  	vm2 =	vmor vm4, vm2  }
0x1dc: {  	v10 =	vsel vm2, $0x1, v0  }
0x1dd: {  	(xrf0) =	vadd.scan.msk.s32 $0xffff, v10;
	_ =	sdelay $0x3  }
0x1de: {  	s5 =	spop (v2sf)  }
.Ltmp6:
0x1df: {  	s17 =	sadd.s32 s17, s5;
	(pc) =	sbr.rel @p1 .LBB2_6-.Ltmp6, $4  }
0x1e0: {  	[tilespmem:s17+$0x4D00] =	vst.msk vm2, v9;
	v9, _, _ =	vpop (xrf0)  }
0x1e1: {  	[tilespmem:s17+$0x5580] =	vst.msk vm2, v8;
	(v2sf) =	vpush v9, $0xF  }
0x1e2: {  	s4 =	sadd.s32 $0x10, s4  }
0x1e3: {  	s20 =	sadd.s32 $0x10, s20;
	v8 =	vld [tilespmem:s4+$0x0]  }
.Ltmp7:
0x1e4: {  	_ = 	snop;
	(pc) =	sbr.rel .LBB2_7-.Ltmp7, $1  }
0x1e5: {  	_ =	sdelay $0x3  }
.LBB2_9:
0x1e6: {  	_ =	sfence.sel $0x180000  }
0x1e7: {  	[bflag:$0x0] =	sbarrier.arrive $0xFFFF  }
0x1e8: {  	_ =	strace $0x90000047  }
0x1e9: {  	s0 =	stileid.u32;
	[bflag:$0x2] =	sbarrier.arrive $0xFFFF  }
0x1ea: {  	p0 =	sne.s32 s0, $0x0;
	s0 =	rddreg [dreg:$0x4]  }
0x1eb: {  	s0 =	sadd.s32 @!p0 $0x100000, s0  }
0x1ec: {  	[sflag:s0] =	ssyncadd.tile.s32 @!p0 $0x1;
	_ =	shalt  }
.Lfunc_end2:
_tile_overlayer_lowered:
.L_overlay_start_2:
0x1ed: {  	(tag) =	ssettag $0x2  }
0x1ee: {  	s0 =	rddreg [dreg:$0x0];
	s2 =	stileid.u32  }
0x1ef: {  	s1 =	rddreg [dreg:$0x1];
	p0 =	sne.s32 s2, $0x0  }
0x1f0: {  	s3 =	rddreg [dreg:$0x2];
	[bflag:$0x3] =	sbarrier.arrive $0xFFFF;
	s2 =	simm.s32 @!p0 $0x1C03  }
0x1f1: {  	[timem:s3], [sflag:s2] =	dma.local @!p0 [hbm:s0], s1  }
0x1f2: {  	s0 =	simm.s32 @!p0 $0x3  }
0x1f3: {  	_ =	swait.ge @!p0 [sflag:s0], s1  }
0x1f4: {  	s1 =	ssub.s32 @!p0 $0x0, s1;
	[sflag:s0] =	ssyncset.done @!p0 $0x0  }
0x1f5: {  	[sflag:s0] =	ssyncadd.s32 @!p0 s1  }
0x1f6: {  	[bflag:$0x3] =	sbarrier.arrive $0xFFFF  }
0x1f7: {  	_ =	shalt  }

</sc_bundles>
